<compile_context>
chip_gen: v7x
topology: tpu7x:2x2x1
jax: 0.10.2.dev20260603
libtpu: 0.0.44.dev20260713+nightly
codegen_flags: <defaults>
</compile_context>

<pallas_src>
import functools

import jax
import jax.numpy as jnp
from jax import lax
from jax.experimental import pallas as pl
from jax.experimental.pallas import tpu as pltpu
from jax.experimental.pallas import tpu_sc as plsc

N = 10000
E = 320000
D = 128
NC = 2
NS = 16
NW = NC * NS
C = 128
NCH = 80
ECAP = C * NCH
EPAD = NW * ECAP
SPLIT = 5000
HROWS = 5120
HZR = HROWS // NS
DUMMY_ROW = HROWS - 1
ACC_ROWS = 10240
ZR = ACC_ROWS // NS
DUMMY = N
DDEG = 16
R = 1000


@functools.lru_cache(maxsize=None)
def _mesh():
    return plsc.VectorSubcoreMesh(core_axis_name="c", subcore_axis_name="s",
                                  num_cores=NC, num_subcores=NS)


@functools.lru_cache(maxsize=None)
def _sc_bucketize_call():
    return pl.kernel(
        _sc_bucketize_body,
        out_type=[
            jax.ShapeDtypeStruct((2, NW, ECAP), jnp.int32),
            jax.ShapeDtypeStruct((2, NW, ECAP), jnp.int32),
            jax.ShapeDtypeStruct((2, NW, C), jnp.int32),
        ],
        mesh=_mesh(),
        compiler_params=pltpu.CompilerParams(needs_layout_passes=False),
        scratch_types=[
            pltpu.VMEM((NCH, C), jnp.int32),
            pltpu.VMEM((NCH, C), jnp.int32),
            pltpu.VMEM((ECAP + 16,), jnp.int32),
            pltpu.VMEM((ECAP + 16,), jnp.int32),
            pltpu.VMEM((ECAP + 16,), jnp.int32),
            pltpu.VMEM((ECAP + 16,), jnp.int32),
            pltpu.VMEM((C,), jnp.int32),
        ],
    )


def _sc_bucketize_body(src_hbm, dst_hbm, srcb_hbm, rowb_hbm, nch_hbm,
                       sin, din, slo, rlo, shi, rhi, ncv):
    c = lax.axis_index("c")
    s = lax.axis_index("s")
    wid = s * NC + c

    pltpu.sync_copy(src_hbm.at[wid], sin)
    pltpu.sync_copy(dst_hbm.at[wid], din)

    zero16 = jnp.zeros((16,), jnp.int32)
    dum16 = jnp.full((16,), DUMMY_ROW, jnp.int32)

    def _fill(i, _):
        slo[pl.ds(i * 16, 16)] = zero16
        rlo[pl.ds(i * 16, 16)] = dum16
        shi[pl.ds(i * 16, 16)] = zero16
        rhi[pl.ds(i * 16, 16)] = dum16
        return 0

    lax.fori_loop(0, (ECAP + 16) // 16, _fill, 0)

    def _comp(g, carry):
        olo, ohi = carry
        row = g // (C // 16)
        lane = (g % (C // 16)) * 16
        s16 = sin[row, pl.ds(lane, 16)]
        d16 = din[row, pl.ds(lane, 16)]
        mlo = d16 < SPLIT
        plsc.store_compressed(slo.at[pl.ds(olo, 16)], s16, mask=mlo)
        plsc.store_compressed(rlo.at[pl.ds(olo, 16)], d16, mask=mlo)
        mhi = jnp.logical_not(mlo)
        plsc.store_compressed(shi.at[pl.ds(ohi, 16)], s16, mask=mhi)
        plsc.store_compressed(rhi.at[pl.ds(ohi, 16)],
                              jnp.minimum(d16 - SPLIT, DUMMY_ROW), mask=mhi)
        nlo = plsc.all_reduce_population_count(mlo)[0]
        nhi = plsc.all_reduce_population_count(mhi)[0]
        return olo + nlo, ohi + nhi

    olo, ohi = lax.fori_loop(0, NCH * (C // 16), _comp, (0, 0))

    for h, (sb, rb, cnt) in enumerate(((slo, rlo, olo), (shi, rhi, ohi))):
        nchunks = (cnt + C - 1) // C
        v = jnp.full((16,), nchunks, jnp.int32)

        def _nb(i, _, v=v, ncv=ncv):
            ncv[pl.ds(i * 16, 16)] = v
            return 0

        lax.fori_loop(0, C // 16, _nb, 0)
        pltpu.sync_copy(ncv, nch_hbm.at[h, wid])
        pltpu.sync_copy(sb.at[pl.ds(0, ECAP)], srcb_hbm.at[h, wid])
        pltpu.sync_copy(rb.at[pl.ds(0, ECAP)], rowb_hbm.at[h, wid])


@functools.lru_cache(maxsize=None)
def _sc_segsum_call():
    return pl.kernel(
        _sc_segsum_body,
        out_type=jax.ShapeDtypeStruct((2, NC, HROWS, D), jnp.float32),
        mesh=_mesh(),
        scratch_types=[
            pltpu.VMEM((NCH, C), jnp.int32),
            pltpu.VMEM((NCH, C), jnp.int32),
            pltpu.VMEM((C,), jnp.int32),
            pltpu.VMEM((C, D), jnp.float32),
            pltpu.VMEM((C, D), jnp.float32),
            pltpu.VMEM_SHARED((HROWS, D), jnp.float32),
            pltpu.SemaphoreType.DMA,
            pltpu.SemaphoreType.DMA,
        ],
    )


def _sc_segsum_body(h_hbm, srcb_hbm, rowb_hbm, nch_hbm, out_hbm,
                    src_v, row_v, ncv, bufa, zbuf, acc, sem_g, sem_s):
    c = lax.axis_index("c")
    s = lax.axis_index("s")
    wid = s * NC + c

    zero16 = jnp.zeros((16,), jnp.float32)

    def _zb(i, _):
        zbuf[i // 8, pl.ds((i % 8) * 16, 16)] = zero16
        return 0

    lax.fori_loop(0, C * 8, _zb, 0)

    for h in range(2):
        for off, rows in ((0, C), (C, C), (2 * C, HZR - 2 * C)):
            pltpu.sync_copy(zbuf.at[pl.ds(0, rows)],
                            acc.at[pl.ds(s * HZR + off, rows)])

        pltpu.sync_copy(srcb_hbm.at[h, wid], src_v)
        pltpu.sync_copy(rowb_hbm.at[h, wid], row_v)
        pltpu.sync_copy(nch_hbm.at[h, wid], ncv)
        n = ncv[pl.ds(0, 16)][0]
        plsc.subcore_barrier()

        def _body(j, _):
            pltpu.async_copy(h_hbm.at[src_v.at[j]], bufa, sem_g).wait()
            pltpu.async_copy(bufa, acc.at[row_v.at[j]], sem_s, add=True).wait()
            return 0

        lax.fori_loop(0, n, _body, 0)
        plsc.subcore_barrier()

        pltpu.sync_copy(acc.at[pl.ds(s * HZR, HZR)],
                        out_hbm.at[h, c, pl.ds(s * HZR, HZR)])
        plsc.subcore_barrier()


def _tc_layer_body(acc_ref, hd_ref, dinv_ref, res_ref, x_ref, w_ref, b_ref,
                   g_ref, be_ref, f_ref, p_ref, h_ref, hdn_ref, dinvn_ref):
    a = acc_ref[0, 0] + acc_ref[0, 1]
    dinv_new = lax.rsqrt(a + 1.0)
    dinv = dinv_ref[...]
    z = dinv * (a + hd_ref[...])
    y = lax.dot_general(z, w_ref[...], (((1,), (1,)), ((), ())),
                        preferred_element_type=jnp.float32) + b_ref[...]
    mu = jnp.mean(y, axis=1, keepdims=True)
    var = jnp.mean((y - mu) ** 2, axis=1, keepdims=True)
    t = (y - mu) * lax.rsqrt(var + 1e-5) * g_ref[...] + be_ref[...]
    f = f_ref[...]
    hl = f * (jnp.maximum(t, 0.0) + res_ref[...]) + (1.0 - f) * t
    p = p_ref[...]
    h = p * x_ref[...] + (1.0 - p) * hl
    dn = p * dinv_new + (1.0 - p) * dinv
    h_ref[...] = h
    hdn_ref[...] = h * dn
    dinvn_ref[...] = dn


def _tc_layer(acc, hd, dinv, res, x, w, b, g, be, f, p):
    return pl.pallas_call(
        _tc_layer_body,
        grid=(N // R,),
        in_specs=[
            pl.BlockSpec((1, NC, R, D), lambda i: (i // 5, 0, i % 5, 0)),
            pl.BlockSpec((R, D), lambda i: (i, 0)),
            pl.BlockSpec((R, D), lambda i: (i, 0)),
            pl.BlockSpec((R, D), lambda i: (i, 0)),
            pl.BlockSpec((R, D), lambda i: (i, 0)),
            pl.BlockSpec((D, D), lambda i: (0, 0)),
            pl.BlockSpec((1, D), lambda i: (0, 0)),
            pl.BlockSpec((1, D), lambda i: (0, 0)),
            pl.BlockSpec((1, D), lambda i: (0, 0)),
            pl.BlockSpec((1, D), lambda i: (0, 0)),
            pl.BlockSpec((1, D), lambda i: (0, 0)),
        ],
        out_specs=[
            pl.BlockSpec((R, D), lambda i: (i, 0)),
            pl.BlockSpec((R, D), lambda i: (i, 0)),
            pl.BlockSpec((R, D), lambda i: (i, 0)),
        ],
        out_shape=[
            jax.ShapeDtypeStruct((N, D), jnp.float32),
            jax.ShapeDtypeStruct((N, D), jnp.float32),
            jax.ShapeDtypeStruct((N, D), jnp.float32),
        ],
    )(acc, hd, dinv, res, x, w, b, g, be, f, p)


def kernel(x, edge_index, W0, b0, g0, be0, W1, b1, g1, be1, W2, b2, g2, be2):
    src = edge_index[0].astype(jnp.int32)
    dst = edge_index[1].astype(jnp.int32)
    pad = EPAD - E
    src = jnp.concatenate([src, jnp.zeros((pad,), jnp.int32)])
    dst = jnp.concatenate([dst, jnp.full((pad,), DUMMY, jnp.int32)])
    src3 = src.reshape(NW, NCH, C)
    dst3 = dst.reshape(NW, NCH, C)

    srcb, rowb, nch = _sc_bucketize_call()(src3, dst3)
    srcb = srcb.reshape(2, NW, NCH, C)
    rowb = rowb.reshape(2, NW, NCH, C)

    x = x.astype(jnp.float32)
    ws = jnp.stack([W0, W0, W1, W2]).astype(jnp.float32)
    bs = jnp.stack([b0, b0, b1, b2]).reshape(4, 1, D).astype(jnp.float32)
    gs = jnp.stack([g0, g0, g1, g2]).reshape(4, 1, D).astype(jnp.float32)
    bes = jnp.stack([be0, be0, be1, be2]).reshape(4, 1, D).astype(jnp.float32)
    fs = jnp.broadcast_to(
        jnp.array([0.0, 1.0, 1.0, 0.0], jnp.float32)[:, None, None], (4, 1, D))
    ps = jnp.broadcast_to(
        jnp.array([1.0, 0.0, 0.0, 0.0], jnp.float32)[:, None, None], (4, 1, D))

    def _step(carry, xs):
        hd_c, res_c, dinv_c = carry
        w, b, g, be, f, p = xs
        acc = _sc_segsum_call()(hd_c, srcb, rowb, nch)
        h, hdn, dinvn = _tc_layer(acc, hd_c, dinv_c, res_c, x, w, b, g, be, f, p)
        return (hdn, h, dinvn), ()

    ones = jnp.ones((N, D), jnp.float32)
    (_, h, _), _ = lax.scan(_step, (ones, x, ones), (ws, bs, gs, bes, fs, ps))
    return h

# --- scband reference (transcript-rebuilt; emitter-appended) ---
"""Pipeline reference for scband-gcnblock-45887430590914 (READ-ONLY COPY).

The authoritative reference and input builder live on the scoring server;
editing this copy changes nothing except your own understanding.
"""

import jax, jax.numpy as jnp
import numpy as np

N_NODES = 10000
N_EDGES = 320000
D = 128


def _layer_norm(x, g, b):
    mu = jnp.mean(x, axis=-1, keepdims=True)
    var = jnp.mean((x - mu) ** 2, axis=-1, keepdims=True)
    return (x - mu) / jnp.sqrt(var + 1e-5) * g + b


def _gcn_conv(x, edge_index, W, b):
    # Standard GCNConv: add self-loops, symmetric normalization D^-1/2 (A+I) D^-1/2,
    # linear transform first, aggregate by scatter-add, then add bias.
    n = x.shape[0]
    loop = jnp.arange(n, dtype=edge_index.dtype)
    src = jnp.concatenate([edge_index[0], loop])
    dst = jnp.concatenate([edge_index[1], loop])
    deg = jax.ops.segment_sum(jnp.ones(src.shape[0], dtype=x.dtype), dst, num_segments=n)
    dinv = jnp.where(deg > 0, 1.0 / jnp.sqrt(deg), 0.0)
    norm = dinv[src] * dinv[dst]
    h = x @ W.T
    msg = h[src] * norm[:, None]
    out = jax.ops.segment_sum(msg, dst, num_segments=n)
    return out + b


def setup_inputs(seed: int = 0) -> dict:
    key = jax.random.key(seed)
    ks = jax.random.split(key, 8)
    x = jax.random.normal(ks[0], (N_NODES, D), dtype=jnp.float32)
    edge_index = jax.random.randint(ks[1], (2, N_EDGES), 0, N_NODES).astype(jnp.int64)
    inp = {"x": x, "edge_index": edge_index}
    for i in range(3):
        inp[f"W{i}"] = jax.random.normal(ks[2 + i], (D, D), dtype=jnp.float32) / np.sqrt(D)
        inp[f"b{i}"] = jnp.zeros((D,), jnp.float32)
        inp[f"g{i}"] = jnp.ones((D,), jnp.float32)
        inp[f"be{i}"] = jnp.zeros((D,), jnp.float32)
    return inp


def reference(x, edge_index, W0, b0, g0, be0, W1, b1, g1, be1, W2, b2, g2, be2):
    # in_channels == hidden_dim == 128 so input_proj is None.
    # Dropout is identity in eval mode.
    layers = [(W0, b0, g0, be0), (W1, b1, g1, be1), (W2, b2, g2, be2)]
    residual = x
    h = x
    num_layers = len(layers)
    for i, (W, b, g, be) in enumerate(layers):
        h = _gcn_conv(h, edge_index, W, b)
        if i < num_layers - 1:
            h = _layer_norm(h, g, be)
            h = jax.nn.relu(h)
            if h.shape == residual.shape:
                h = h + residual
                residual = h
        else:
            h = _layer_norm(h, g, be)
    return h

if __name__ == "__main__":
    import jax
    _d = setup_inputs()
    print(jax.jit(kernel)(*tuple(_d.values())))

</pallas_src>

<mosaic_0001>
#map = affine_map<(d0, d1) -> (0, 0, 0)>
module attributes {stable_mosaic.version = 14 : i64} {
  func.func @_sc_bucketize_body(%arg0: i32, %arg1: i32, %arg2: memref<32x80x128xi32, #tpu.memory_space<hbm>>, %arg3: memref<32x80x128xi32, #tpu.memory_space<hbm>>, %arg4: memref<2x32x10240xi32, #tpu.memory_space<hbm>>, %arg5: memref<2x32x10240xi32, #tpu.memory_space<hbm>>, %arg6: memref<2x32x128xi32, #tpu.memory_space<hbm>>, %arg7: memref<80x128xi32, #tpu.memory_space<vmem>>, %arg8: memref<80x128xi32, #tpu.memory_space<vmem>>, %arg9: memref<10256xi32, #tpu.memory_space<vmem>>, %arg10: memref<10256xi32, #tpu.memory_space<vmem>>, %arg11: memref<10256xi32, #tpu.memory_space<vmem>>, %arg12: memref<10256xi32, #tpu.memory_space<vmem>>, %arg13: memref<128xi32, #tpu.memory_space<vmem>>) attributes {dimension_semantics = [#tpu.dimension_semantics<core_parallel>, #tpu.dimension_semantics<subcore_parallel>], iteration_bounds = array<i64: 2, 16>, scalar_prefetch = 0 : i64, scratch_operands = 7 : i64, tpu.core_type = #tpu.core_type<sc_vector_subcore>, window_params = [{transform_indices = #map}, {transform_indices = #map}, {transform_indices = #map}, {transform_indices = #map}, {transform_indices = #map}]} {
    %mul3A = arith.constant 2 : i32
    %mul3A_0 = arith.muli %arg1, %mul3A : i32
    %add3A = arith.addi %mul3A_0, %arg0 : i32
    "tpu.region"() ({
      %run_scoped3A_87 = tpu.sem_alloc : memref<!tpu.dma_semaphore, #tpu.memory_space<semaphore_mem>>
      %dma_start3A = arith.constant 0 : i32
      %dma_start3A_88 = arith.constant 0 : i32
      %dma_start3A_89 = tpu.memref_slice %arg2[%add3A, %dma_start3A, %dma_start3A_88] : memref<32x80x128xi32, #tpu.memory_space<hbm>> -> memref<1x80x128xi32, #tpu.memory_space<hbm>>
      %dma_start3A_90 = tpu.memref_squeeze %dma_start3A_89 : memref<1x80x128xi32, #tpu.memory_space<hbm>> -> memref<80x128xi32, #tpu.memory_space<hbm>>
      %dma_start3A_91 = arith.constant 0 : i32
      %dma_start3A_92 = arith.constant 0 : i32
      %dma_start3A_93 = tpu.memref_slice %arg2[%add3A, %dma_start3A_91, %dma_start3A_92] : memref<32x80x128xi32, #tpu.memory_space<hbm>> -> memref<1x80x128xi32, #tpu.memory_space<hbm>>
      %dma_start3A_94 = tpu.memref_squeeze %dma_start3A_93 : memref<1x80x128xi32, #tpu.memory_space<hbm>> -> memref<80x128xi32, #tpu.memory_space<hbm>>
      tpu.enqueue_dma source(%dma_start3A_94 : memref<80x128xi32, #tpu.memory_space<hbm>>) target(%arg7 : memref<80x128xi32, #tpu.memory_space<vmem>>) target_semaphore(%run_scoped3A_87 : memref<!tpu.dma_semaphore, #tpu.memory_space<semaphore_mem>>)
      %dma_wait3A = arith.constant 0 : i32
      %dma_wait3A_95 = arith.constant 0 : i32
      %dma_wait3A_96 = tpu.memref_slice %arg2[%add3A, %dma_wait3A, %dma_wait3A_95] : memref<32x80x128xi32, #tpu.memory_space<hbm>> -> memref<1x80x128xi32, #tpu.memory_space<hbm>>
      %dma_wait3A_97 = tpu.memref_squeeze %dma_wait3A_96 : memref<1x80x128xi32, #tpu.memory_space<hbm>> -> memref<80x128xi32, #tpu.memory_space<hbm>>
      %dma_wait3A_98 = arith.constant 0 : i32
      %dma_wait3A_99 = arith.constant 0 : i32
      %dma_wait3A_100 = tpu.memref_slice %arg2[%add3A, %dma_wait3A_98, %dma_wait3A_99] : memref<32x80x128xi32, #tpu.memory_space<hbm>> -> memref<1x80x128xi32, #tpu.memory_space<hbm>>
      %dma_wait3A_101 = tpu.memref_squeeze %dma_wait3A_100 : memref<1x80x128xi32, #tpu.memory_space<hbm>> -> memref<80x128xi32, #tpu.memory_space<hbm>>
      tpu.wait_dma2 semaphore(%run_scoped3A_87 : memref<!tpu.dma_semaphore, #tpu.memory_space<semaphore_mem>>) src(%dma_wait3A_101 : memref<80x128xi32, #tpu.memory_space<hbm>>) dst(%arg7 : memref<80x128xi32, #tpu.memory_space<vmem>>)
      tpu.yield
    }) : () -> ()
    "tpu.region"() ({
      %run_scoped3A_87 = tpu.sem_alloc : memref<!tpu.dma_semaphore, #tpu.memory_space<semaphore_mem>>
      %dma_start3A = arith.constant 0 : i32
      %dma_start3A_88 = arith.constant 0 : i32
      %dma_start3A_89 = tpu.memref_slice %arg3[%add3A, %dma_start3A, %dma_start3A_88] : memref<32x80x128xi32, #tpu.memory_space<hbm>> -> memref<1x80x128xi32, #tpu.memory_space<hbm>>
      %dma_start3A_90 = tpu.memref_squeeze %dma_start3A_89 : memref<1x80x128xi32, #tpu.memory_space<hbm>> -> memref<80x128xi32, #tpu.memory_space<hbm>>
      %dma_start3A_91 = arith.constant 0 : i32
      %dma_start3A_92 = arith.constant 0 : i32
      %dma_start3A_93 = tpu.memref_slice %arg3[%add3A, %dma_start3A_91, %dma_start3A_92] : memref<32x80x128xi32, #tpu.memory_space<hbm>> -> memref<1x80x128xi32, #tpu.memory_space<hbm>>
      %dma_start3A_94 = tpu.memref_squeeze %dma_start3A_93 : memref<1x80x128xi32, #tpu.memory_space<hbm>> -> memref<80x128xi32, #tpu.memory_space<hbm>>
      tpu.enqueue_dma source(%dma_start3A_94 : memref<80x128xi32, #tpu.memory_space<hbm>>) target(%arg8 : memref<80x128xi32, #tpu.memory_space<vmem>>) target_semaphore(%run_scoped3A_87 : memref<!tpu.dma_semaphore, #tpu.memory_space<semaphore_mem>>)
      %dma_wait3A = arith.constant 0 : i32
      %dma_wait3A_95 = arith.constant 0 : i32
      %dma_wait3A_96 = tpu.memref_slice %arg3[%add3A, %dma_wait3A, %dma_wait3A_95] : memref<32x80x128xi32, #tpu.memory_space<hbm>> -> memref<1x80x128xi32, #tpu.memory_space<hbm>>
      %dma_wait3A_97 = tpu.memref_squeeze %dma_wait3A_96 : memref<1x80x128xi32, #tpu.memory_space<hbm>> -> memref<80x128xi32, #tpu.memory_space<hbm>>
      %dma_wait3A_98 = arith.constant 0 : i32
      %dma_wait3A_99 = arith.constant 0 : i32
      %dma_wait3A_100 = tpu.memref_slice %arg3[%add3A, %dma_wait3A_98, %dma_wait3A_99] : memref<32x80x128xi32, #tpu.memory_space<hbm>> -> memref<1x80x128xi32, #tpu.memory_space<hbm>>
      %dma_wait3A_101 = tpu.memref_squeeze %dma_wait3A_100 : memref<1x80x128xi32, #tpu.memory_space<hbm>> -> memref<80x128xi32, #tpu.memory_space<hbm>>
      tpu.wait_dma2 semaphore(%run_scoped3A_87 : memref<!tpu.dma_semaphore, #tpu.memory_space<semaphore_mem>>) src(%dma_wait3A_101 : memref<80x128xi32, #tpu.memory_space<hbm>>) dst(%arg8 : memref<80x128xi32, #tpu.memory_space<vmem>>)
      tpu.yield
    }) : () -> ()
    %broadcast_in_dim3A = arith.constant 0 : i32
    %broadcast_in_dim3A_1 = vector.broadcast %broadcast_in_dim3A : i32 to vector<16xi32>
    %broadcast_in_dim3A_2 = arith.constant 5119 : i32
    %broadcast_in_dim3A_3 = vector.broadcast %broadcast_in_dim3A_2 : i32 to vector<16xi32>
    %scan3A = arith.constant 0 : i32
    %scan3A_4 = arith.constant 0 : i32
    %scan3A_5 = arith.constant 641 : i32
    %scan3A_6 = arith.addi %scan3A_4, %scan3A_5 : i32
    %scan3A_7 = arith.constant 1 : i32
    %scan3A_8 = scf.for %scan3A_87 = %scan3A_4 to %scan3A_6 step %scan3A_7 iter_args(%scan3A_88 = %scan3A) -> (i32)  : i32 {
      %mul3A_89 = arith.constant 16 : i32
      %mul3A_90 = arith.muli %scan3A_87, %mul3A_89 : i32
      %swap3A = arith.index_cast %mul3A_90 : i32 to index
      %swap3A_91 = tpu.vector_load %arg9[%swap3A] {strides = array<i32>} : memref<10256xi32, #tpu.memory_space<vmem>>, vector<16xi32>,
      tpu.vector_store %arg9[%swap3A], %broadcast_in_dim3A_1 {strides = array<i32>} : memref<10256xi32, #tpu.memory_space<vmem>>, vector<16xi32>,
      %mul3A_92 = arith.constant 16 : i32
      %mul3A_93 = arith.muli %scan3A_87, %mul3A_92 : i32
      %swap3A_94 = arith.index_cast %mul3A_93 : i32 to index
      %swap3A_95 = tpu.vector_load %arg10[%swap3A_94] {strides = array<i32>} : memref<10256xi32, #tpu.memory_space<vmem>>, vector<16xi32>,
      tpu.vector_store %arg10[%swap3A_94], %broadcast_in_dim3A_3 {strides = array<i32>} : memref<10256xi32, #tpu.memory_space<vmem>>, vector<16xi32>,
      %mul3A_96 = arith.constant 16 : i32
      %mul3A_97 = arith.muli %scan3A_87, %mul3A_96 : i32
      %swap3A_98 = arith.index_cast %mul3A_97 : i32 to index
      %swap3A_99 = tpu.vector_load %arg11[%swap3A_98] {strides = array<i32>} : memref<10256xi32, #tpu.memory_space<vmem>>, vector<16xi32>,
      tpu.vector_store %arg11[%swap3A_98], %broadcast_in_dim3A_1 {strides = array<i32>} : memref<10256xi32, #tpu.memory_space<vmem>>, vector<16xi32>,
      %mul3A_100 = arith.constant 16 : i32
      %mul3A_101 = arith.muli %scan3A_87, %mul3A_100 : i32
      %swap3A_102 = arith.index_cast %mul3A_101 : i32 to index
      %swap3A_103 = tpu.vector_load %arg12[%swap3A_102] {strides = array<i32>} : memref<10256xi32, #tpu.memory_space<vmem>>, vector<16xi32>,
      tpu.vector_store %arg12[%swap3A_102], %broadcast_in_dim3A_3 {strides = array<i32>} : memref<10256xi32, #tpu.memory_space<vmem>>, vector<16xi32>,
      %scan3A_104 = arith.constant 0 : i32
      scf.yield %scan3A_104 : i32
    }
    %scan3A_9 = arith.constant 641 : i32
    %scan3A_10 = arith.constant 0 : i32
    %scan3A_11 = arith.constant 0 : i32
    %scan3A_12 = arith.constant 0 : i32
    %scan3A_13 = arith.constant 640 : i32
    %scan3A_14 = arith.addi %scan3A_12, %scan3A_13 : i32
    %scan3A_15 = arith.constant 1 : i32
    %scan3A_16:2 = scf.for %scan3A_87 = %scan3A_12 to %scan3A_14 step %scan3A_15 iter_args(%scan3A_88 = %scan3A_10, %scan3A_89 = %scan3A_11) -> (i32, i32)  : i32 {
      %jit3A_90 = arith.constant 8 : i32
      %div3A_91 = arith.divsi %scan3A_87, %jit3A_90 : i32
      %sign3A_92 = arith.constant 0 : i32
      %sign3A_93 = arith.cmpi sgt, %scan3A_87, %sign3A_92 : i32
      %sign3A_94 = arith.extui %sign3A_93 : i1 to i32
      %sign3A_95 = arith.constant 0 : i32
      %sign3A_96 = arith.cmpi slt, %scan3A_87, %sign3A_95 : i32
      %sign3A_97 = arith.extui %sign3A_96 : i1 to i32
      %sign3A_98 = arith.subi %sign3A_94, %sign3A_97 : i32
      %sign3A_99 = arith.constant 0 : i32
      %sign3A_100 = arith.cmpi sgt, %jit3A_90, %sign3A_99 : i32
      %sign3A_101 = arith.extui %sign3A_100 : i1 to i32
      %sign3A_102 = arith.constant 0 : i32
      %sign3A_103 = arith.cmpi slt, %jit3A_90, %sign3A_102 : i32
      %sign3A_104 = arith.extui %sign3A_103 : i1 to i32
      %sign3A_105 = arith.subi %sign3A_101, %sign3A_104 : i32
      %ne3A_106 = arith.cmpi ne, %sign3A_98, %sign3A_105 : i32
      %rem3A_107 = arith.remsi %scan3A_87, %jit3A_90 : i32
      %ne3A_108 = arith.constant 0 : i32
      %ne3A_109 = arith.cmpi ne, %rem3A_107, %ne3A_108 : i32
      %and3A_110 = arith.andi %ne3A_106, %ne3A_109 : i1
      %sub3A_111 = arith.constant 1 : i32
      %sub3A_112 = arith.subi %div3A_91, %sub3A_111 : i32
      %select_n3A_113 = arith.select %and3A_110, %sub3A_112, %div3A_91 : i32
      %jit3A_114 = arith.constant 8 : i32
      %eq3A = arith.constant 0 : i32
      %eq3A_115 = arith.cmpi eq, %jit3A_114, %eq3A : i32
      %jit3A_116 = arith.constant 1 : i32
      %select_n3A_117 = arith.select %eq3A_115, %jit3A_116, %jit3A_114 : i32
      %rem3A_118 = arith.remsi %scan3A_87, %select_n3A_117 : i32
      %ne3A_119 = arith.constant 0 : i32
      %ne3A_120 = arith.cmpi ne, %rem3A_118, %ne3A_119 : i32
      %lt3A = arith.constant 0 : i32
      %lt3A_121 = arith.cmpi slt, %rem3A_118, %lt3A : i32
      %lt3A_122 = arith.constant 0 : i32
      %lt3A_123 = arith.cmpi slt, %select_n3A_117, %lt3A_122 : i32
      %ne3A_124 = arith.xori %lt3A_121, %lt3A_123 : i1
      %and3A_125 = arith.andi %ne3A_124, %ne3A_120 : i1
      %add3A_126 = arith.addi %rem3A_118, %select_n3A_117 : i32
      %select_n3A_127 = arith.select %and3A_125, %add3A_126, %rem3A_118 : i32
      %mul3A_128 = arith.constant 16 : i32
      %mul3A_129 = arith.muli %select_n3A_127, %mul3A_128 : i32
      %get3A = arith.index_cast %select_n3A_113 : i32 to index
      %get3A_130 = arith.index_cast %mul3A_129 : i32 to index
      %get3A_131 = tpu.vector_load %arg7[%get3A, %get3A_130] {strides = array<i32>} : memref<80x128xi32, #tpu.memory_space<vmem>>, vector<16xi32>,
      %get3A_132 = arith.index_cast %select_n3A_113 : i32 to index
      %get3A_133 = arith.index_cast %mul3A_129 : i32 to index
      %get3A_134 = tpu.vector_load %arg8[%get3A_132, %get3A_133] {strides = array<i32>} : memref<80x128xi32, #tpu.memory_space<vmem>>, vector<16xi32>,
      %lt3A_135 = arith.constant 5000 : i32
      %lt3A_136 = vector.broadcast %lt3A_135 : i32 to vector<16xi32>
      %lt3A_137 = arith.cmpi slt, %get3A_134, %lt3A_136 : vector<16xi32>
      %swap3A = arith.index_cast %scan3A_88 : i32 to index
      %swap3A_138 = tpu.vector_load %arg9[%swap3A] masked %lt3A_137 {strides = array<i32>} : memref<10256xi32, #tpu.memory_space<vmem>>, vector<16xi32>, vector<16xi1>
      tpu.vector_store %arg9[%swap3A], %get3A_131 masked %lt3A_137 {strides = array<i32>} : memref<10256xi32, #tpu.memory_space<vmem>>, vector<16xi32>, vector<16xi1>
      %swap3A_139 = arith.index_cast %scan3A_88 : i32 to index
      %swap3A_140 = tpu.vector_load %arg10[%swap3A_139] masked %lt3A_137 {strides = array<i32>} : memref<10256xi32, #tpu.memory_space<vmem>>, vector<16xi32>, vector<16xi1>
      tpu.vector_store %arg10[%swap3A_139], %get3A_134 masked %lt3A_137 {strides = array<i32>} : memref<10256xi32, #tpu.memory_space<vmem>>, vector<16xi32>, vector<16xi1>
      %not3A = arith.constant dense<true> : vector<16xi1>
      %not3A_141 = arith.xori %lt3A_137, %not3A : vector<16xi1>
      %swap3A_142 = arith.index_cast %scan3A_89 : i32 to index
      %swap3A_143 = tpu.vector_load %arg11[%swap3A_142] masked %not3A_141 {strides = array<i32>} : memref<10256xi32, #tpu.memory_space<vmem>>, vector<16xi32>, vector<16xi1>
      tpu.vector_store %arg11[%swap3A_142], %get3A_131 masked %not3A_141 {strides = array<i32>} : memref<10256xi32, #tpu.memory_space<vmem>>, vector<16xi32>, vector<16xi1>
      %sub3A_144 = arith.constant 5000 : i32
      %sub3A_145 = vector.broadcast %sub3A_144 : i32 to vector<16xi32>
      %sub3A_146 = arith.subi %get3A_134, %sub3A_145 : vector<16xi32>
      %min3A = arith.constant 5119 : i32
      %min3A_147 = vector.broadcast %min3A : i32 to vector<16xi32>
      %min3A_148 = arith.minsi %sub3A_146, %min3A_147 : vector<16xi32>
      %swap3A_149 = arith.index_cast %scan3A_89 : i32 to index
      %swap3A_150 = tpu.vector_load %arg12[%swap3A_149] masked %not3A_141 {strides = array<i32>} : memref<10256xi32, #tpu.memory_space<vmem>>, vector<16xi32>, vector<16xi1>
      tpu.vector_store %arg12[%swap3A_149], %min3A_148 masked %not3A_141 {strides = array<i32>} : memref<10256xi32, #tpu.memory_space<vmem>>, vector<16xi32>, vector<16xi1>
      %all_reduce_population_count3A = tpu.all_reduce %lt3A_137 {dim = 0 : i64, kind = #tpu.reduction_kind<sum>} : vector<16xi1> -> vector<16xi32>
      %slice3A = vector.extract_strided_slice %all_reduce_population_count3A {offsets = [0], sizes = [1], strides = [1]} : vector<16xi32> to vector<1xi32>
      %squeeze3A = vector.extract %slice3A[0] : i32 from vector<1xi32>
      %all_reduce_population_count3A_151 = tpu.all_reduce %not3A_141 {dim = 0 : i64, kind = #tpu.reduction_kind<sum>} : vector<16xi1> -> vector<16xi32>
      %slice3A_152 = vector.extract_strided_slice %all_reduce_population_count3A_151 {offsets = [0], sizes = [1], strides = [1]} : vector<16xi32> to vector<1xi32>
      %squeeze3A_153 = vector.extract %slice3A_152[0] : i32 from vector<1xi32>
      %add3A_154 = arith.addi %scan3A_88, %squeeze3A : i32
      %add3A_155 = arith.addi %scan3A_89, %squeeze3A_153 : i32
      scf.yield %add3A_154, %add3A_155 : i32, i32
    }
    %scan3A_17 = arith.constant 640 : i32
    %add3A_18 = arith.constant 128 : i32
    %add3A_19 = arith.addi %scan3A_16#0, %add3A_18 : i32
    %sub3A = arith.constant 1 : i32
    %sub3A_20 = arith.subi %add3A_19, %sub3A : i32
    %jit3A = arith.constant 128 : i32
    %div3A = arith.divsi %sub3A_20, %jit3A : i32
    %sign3A = arith.constant 0 : i32
    %sign3A_21 = arith.cmpi sgt, %sub3A_20, %sign3A : i32
    %sign3A_22 = arith.extui %sign3A_21 : i1 to i32
    %sign3A_23 = arith.constant 0 : i32
    %sign3A_24 = arith.cmpi slt, %sub3A_20, %sign3A_23 : i32
    %sign3A_25 = arith.extui %sign3A_24 : i1 to i32
    %sign3A_26 = arith.subi %sign3A_22, %sign3A_25 : i32
    %sign3A_27 = arith.constant 0 : i32
    %sign3A_28 = arith.cmpi sgt, %jit3A, %sign3A_27 : i32
    %sign3A_29 = arith.extui %sign3A_28 : i1 to i32
    %sign3A_30 = arith.constant 0 : i32
    %sign3A_31 = arith.cmpi slt, %jit3A, %sign3A_30 : i32
    %sign3A_32 = arith.extui %sign3A_31 : i1 to i32
    %sign3A_33 = arith.subi %sign3A_29, %sign3A_32 : i32
    %ne3A = arith.cmpi ne, %sign3A_26, %sign3A_33 : i32
    %rem3A = arith.remsi %sub3A_20, %jit3A : i32
    %ne3A_34 = arith.constant 0 : i32
    %ne3A_35 = arith.cmpi ne, %rem3A, %ne3A_34 : i32
    %and3A = arith.andi %ne3A, %ne3A_35 : i1
    %sub3A_36 = arith.constant 1 : i32
    %sub3A_37 = arith.subi %div3A, %sub3A_36 : i32
    %select_n3A = arith.select %and3A, %sub3A_37, %div3A : i32
    %broadcast_in_dim3A_38 = vector.broadcast %select_n3A : i32 to vector<16xi32>
    %scan3A_39 = arith.constant 0 : i32
    %scan3A_40 = arith.constant 0 : i32
    %scan3A_41 = arith.constant 8 : i32
    %scan3A_42 = arith.addi %scan3A_40, %scan3A_41 : i32
    %scan3A_43 = arith.constant 1 : i32
    %scan3A_44 = scf.for %scan3A_87 = %scan3A_40 to %scan3A_42 step %scan3A_43 iter_args(%scan3A_88 = %scan3A_39) -> (i32)  : i32 {
      %mul3A_89 = arith.constant 16 : i32
      %mul3A_90 = arith.muli %scan3A_87, %mul3A_89 : i32
      %swap3A = arith.index_cast %mul3A_90 : i32 to index
      %swap3A_91 = tpu.vector_load %arg13[%swap3A] {strides = array<i32>} : memref<128xi32, #tpu.memory_space<vmem>>, vector<16xi32>,
      tpu.vector_store %arg13[%swap3A], %broadcast_in_dim3A_38 {strides = array<i32>} : memref<128xi32, #tpu.memory_space<vmem>>, vector<16xi32>,
      %scan3A_92 = arith.constant 0 : i32
      scf.yield %scan3A_92 : i32
    }
    %scan3A_45 = arith.constant 8 : i32
    %run_scoped3A = arith.constant 0 : i32
    "tpu.region"() ({
      %run_scoped3A_87 = tpu.sem_alloc : memref<!tpu.dma_semaphore, #tpu.memory_space<semaphore_mem>>
      %dma_start3A = arith.constant 0 : i32
      %dma_start3A_88 = tpu.memref_slice %arg6[%run_scoped3A, %add3A, %dma_start3A] : memref<2x32x128xi32, #tpu.memory_space<hbm>> -> memref<1x1x128xi32, #tpu.memory_space<hbm>>
      %dma_start3A_89 = tpu.memref_squeeze %dma_start3A_88 : memref<1x1x128xi32, #tpu.memory_space<hbm>> -> memref<128xi32, #tpu.memory_space<hbm>>
      %dma_start3A_90 = arith.constant 0 : i32
      %dma_start3A_91 = tpu.memref_slice %arg6[%run_scoped3A, %add3A, %dma_start3A_90] : memref<2x32x128xi32, #tpu.memory_space<hbm>> -> memref<1x1x128xi32, #tpu.memory_space<hbm>>
      %dma_start3A_92 = tpu.memref_squeeze %dma_start3A_91 : memref<1x1x128xi32, #tpu.memory_space<hbm>> -> memref<128xi32, #tpu.memory_space<hbm>>
      tpu.enqueue_dma source(%arg13 : memref<128xi32, #tpu.memory_space<vmem>>) target(%dma_start3A_92 : memref<128xi32, #tpu.memory_space<hbm>>) target_semaphore(%run_scoped3A_87 : memref<!tpu.dma_semaphore, #tpu.memory_space<semaphore_mem>>)
      %dma_wait3A = arith.constant 0 : i32
      %dma_wait3A_93 = tpu.memref_slice %arg6[%run_scoped3A, %add3A, %dma_wait3A] : memref<2x32x128xi32, #tpu.memory_space<hbm>> -> memref<1x1x128xi32, #tpu.memory_space<hbm>>
      %dma_wait3A_94 = tpu.memref_squeeze %dma_wait3A_93 : memref<1x1x128xi32, #tpu.memory_space<hbm>> -> memref<128xi32, #tpu.memory_space<hbm>>
      %dma_wait3A_95 = arith.constant 0 : i32
      %dma_wait3A_96 = tpu.memref_slice %arg6[%run_scoped3A, %add3A, %dma_wait3A_95] : memref<2x32x128xi32, #tpu.memory_space<hbm>> -> memref<1x1x128xi32, #tpu.memory_space<hbm>>
      %dma_wait3A_97 = tpu.memref_squeeze %dma_wait3A_96 : memref<1x1x128xi32, #tpu.memory_space<hbm>> -> memref<128xi32, #tpu.memory_space<hbm>>
      tpu.wait_dma2 semaphore(%run_scoped3A_87 : memref<!tpu.dma_semaphore, #tpu.memory_space<semaphore_mem>>) src(%arg13 : memref<128xi32, #tpu.memory_space<vmem>>) dst(%dma_wait3A_97 : memref<128xi32, #tpu.memory_space<hbm>>)
      tpu.yield
    }) : () -> ()
    %run_scoped3A_46 = arith.constant 0 : i32
    "tpu.region"() ({
      %run_scoped3A_87 = tpu.sem_alloc : memref<!tpu.dma_semaphore, #tpu.memory_space<semaphore_mem>>
      %dma_start3A = arith.constant 0 : i32
      %dma_start3A_88 = tpu.memref_slice %arg9[%dma_start3A] : memref<10256xi32, #tpu.memory_space<vmem>> -> memref<10240xi32, #tpu.memory_space<vmem>>
      %dma_start3A_89 = arith.constant 0 : i32
      %dma_start3A_90 = tpu.memref_slice %arg4[%run_scoped3A_46, %add3A, %dma_start3A_89] : memref<2x32x10240xi32, #tpu.memory_space<hbm>> -> memref<1x1x10240xi32, #tpu.memory_space<hbm>>
      %dma_start3A_91 = tpu.memref_squeeze %dma_start3A_90 : memref<1x1x10240xi32, #tpu.memory_space<hbm>> -> memref<10240xi32, #tpu.memory_space<hbm>>
      %dma_start3A_92 = arith.constant 0 : i32
      %dma_start3A_93 = tpu.memref_slice %arg4[%run_scoped3A_46, %add3A, %dma_start3A_92] : memref<2x32x10240xi32, #tpu.memory_space<hbm>> -> memref<1x1x10240xi32, #tpu.memory_space<hbm>>
      %dma_start3A_94 = tpu.memref_squeeze %dma_start3A_93 : memref<1x1x10240xi32, #tpu.memory_space<hbm>> -> memref<10240xi32, #tpu.memory_space<hbm>>
      %dma_start3A_95 = arith.constant 0 : i32
      %dma_start3A_96 = tpu.memref_slice %arg9[%dma_start3A_95] : memref<10256xi32, #tpu.memory_space<vmem>> -> memref<10240xi32, #tpu.memory_space<vmem>>
      tpu.enqueue_dma source(%dma_start3A_96 : memref<10240xi32, #tpu.memory_space<vmem>>) target(%dma_start3A_94 : memref<10240xi32, #tpu.memory_space<hbm>>) target_semaphore(%run_scoped3A_87 : memref<!tpu.dma_semaphore, #tpu.memory_space<semaphore_mem>>)
      %dma_wait3A = arith.constant 0 : i32
      %dma_wait3A_97 = tpu.memref_slice %arg9[%dma_wait3A] : memref<10256xi32, #tpu.memory_space<vmem>> -> memref<10240xi32, #tpu.memory_space<vmem>>
      %dma_wait3A_98 = arith.constant 0 : i32
      %dma_wait3A_99 = tpu.memref_slice %arg4[%run_scoped3A_46, %add3A, %dma_wait3A_98] : memref<2x32x10240xi32, #tpu.memory_space<hbm>> -> memref<1x1x10240xi32, #tpu.memory_space<hbm>>
      %dma_wait3A_100 = tpu.memref_squeeze %dma_wait3A_99 : memref<1x1x10240xi32, #tpu.memory_space<hbm>> -> memref<10240xi32, #tpu.memory_space<hbm>>
      %dma_wait3A_101 = arith.constant 0 : i32
      %dma_wait3A_102 = tpu.memref_slice %arg4[%run_scoped3A_46, %add3A, %dma_wait3A_101] : memref<2x32x10240xi32, #tpu.memory_space<hbm>> -> memref<1x1x10240xi32, #tpu.memory_space<hbm>>
      %dma_wait3A_103 = tpu.memref_squeeze %dma_wait3A_102 : memref<1x1x10240xi32, #tpu.memory_space<hbm>> -> memref<10240xi32, #tpu.memory_space<hbm>>
      %dma_wait3A_104 = arith.constant 0 : i32
      %dma_wait3A_105 = tpu.memref_slice %arg9[%dma_wait3A_104] : memref<10256xi32, #tpu.memory_space<vmem>> -> memref<10240xi32, #tpu.memory_space<vmem>>
      tpu.wait_dma2 semaphore(%run_scoped3A_87 : memref<!tpu.dma_semaphore, #tpu.memory_space<semaphore_mem>>) src(%dma_wait3A_105 : memref<10240xi32, #tpu.memory_space<vmem>>) dst(%dma_wait3A_103 : memref<10240xi32, #tpu.memory_space<hbm>>)
      tpu.yield
    }) : () -> ()
    %run_scoped3A_47 = arith.constant 0 : i32
    "tpu.region"() ({
      %run_scoped3A_87 = tpu.sem_alloc : memref<!tpu.dma_semaphore, #tpu.memory_space<semaphore_mem>>
      %dma_start3A = arith.constant 0 : i32
      %dma_start3A_88 = tpu.memref_slice %arg10[%dma_start3A] : memref<10256xi32, #tpu.memory_space<vmem>> -> memref<10240xi32, #tpu.memory_space<vmem>>
      %dma_start3A_89 = arith.constant 0 : i32
      %dma_start3A_90 = tpu.memref_slice %arg5[%run_scoped3A_47, %add3A, %dma_start3A_89] : memref<2x32x10240xi32, #tpu.memory_space<hbm>> -> memref<1x1x10240xi32, #tpu.memory_space<hbm>>
      %dma_start3A_91 = tpu.memref_squeeze %dma_start3A_90 : memref<1x1x10240xi32, #tpu.memory_space<hbm>> -> memref<10240xi32, #tpu.memory_space<hbm>>
      %dma_start3A_92 = arith.constant 0 : i32
      %dma_start3A_93 = tpu.memref_slice %arg5[%run_scoped3A_47, %add3A, %dma_start3A_92] : memref<2x32x10240xi32, #tpu.memory_space<hbm>> -> memref<1x1x10240xi32, #tpu.memory_space<hbm>>
      %dma_start3A_94 = tpu.memref_squeeze %dma_start3A_93 : memref<1x1x10240xi32, #tpu.memory_space<hbm>> -> memref<10240xi32, #tpu.memory_space<hbm>>
      %dma_start3A_95 = arith.constant 0 : i32
      %dma_start3A_96 = tpu.memref_slice %arg10[%dma_start3A_95] : memref<10256xi32, #tpu.memory_space<vmem>> -> memref<10240xi32, #tpu.memory_space<vmem>>
      tpu.enqueue_dma source(%dma_start3A_96 : memref<10240xi32, #tpu.memory_space<vmem>>) target(%dma_start3A_94 : memref<10240xi32, #tpu.memory_space<hbm>>) target_semaphore(%run_scoped3A_87 : memref<!tpu.dma_semaphore, #tpu.memory_space<semaphore_mem>>)
      %dma_wait3A = arith.constant 0 : i32
      %dma_wait3A_97 = tpu.memref_slice %arg10[%dma_wait3A] : memref<10256xi32, #tpu.memory_space<vmem>> -> memref<10240xi32, #tpu.memory_space<vmem>>
      %dma_wait3A_98 = arith.constant 0 : i32
      %dma_wait3A_99 = tpu.memref_slice %arg5[%run_scoped3A_47, %add3A, %dma_wait3A_98] : memref<2x32x10240xi32, #tpu.memory_space<hbm>> -> memref<1x1x10240xi32, #tpu.memory_space<hbm>>
      %dma_wait3A_100 = tpu.memref_squeeze %dma_wait3A_99 : memref<1x1x10240xi32, #tpu.memory_space<hbm>> -> memref<10240xi32, #tpu.memory_space<hbm>>
      %dma_wait3A_101 = arith.constant 0 : i32
      %dma_wait3A_102 = tpu.memref_slice %arg5[%run_scoped3A_47, %add3A, %dma_wait3A_101] : memref<2x32x10240xi32, #tpu.memory_space<hbm>> -> memref<1x1x10240xi32, #tpu.memory_space<hbm>>
      %dma_wait3A_103 = tpu.memref_squeeze %dma_wait3A_102 : memref<1x1x10240xi32, #tpu.memory_space<hbm>> -> memref<10240xi32, #tpu.memory_space<hbm>>
      %dma_wait3A_104 = arith.constant 0 : i32
      %dma_wait3A_105 = tpu.memref_slice %arg10[%dma_wait3A_104] : memref<10256xi32, #tpu.memory_space<vmem>> -> memref<10240xi32, #tpu.memory_space<vmem>>
      tpu.wait_dma2 semaphore(%run_scoped3A_87 : memref<!tpu.dma_semaphore, #tpu.memory_space<semaphore_mem>>) src(%dma_wait3A_105 : memref<10240xi32, #tpu.memory_space<vmem>>) dst(%dma_wait3A_103 : memref<10240xi32, #tpu.memory_space<hbm>>)
      tpu.yield
    }) : () -> ()
    %add3A_48 = arith.constant 128 : i32
    %add3A_49 = arith.addi %scan3A_16#1, %add3A_48 : i32
    %sub3A_50 = arith.constant 1 : i32
    %sub3A_51 = arith.subi %add3A_49, %sub3A_50 : i32
    %jit3A_52 = arith.constant 128 : i32
    %div3A_53 = arith.divsi %sub3A_51, %jit3A_52 : i32
    %sign3A_54 = arith.constant 0 : i32
    %sign3A_55 = arith.cmpi sgt, %sub3A_51, %sign3A_54 : i32
    %sign3A_56 = arith.extui %sign3A_55 : i1 to i32
    %sign3A_57 = arith.constant 0 : i32
    %sign3A_58 = arith.cmpi slt, %sub3A_51, %sign3A_57 : i32
    %sign3A_59 = arith.extui %sign3A_58 : i1 to i32
    %sign3A_60 = arith.subi %sign3A_56, %sign3A_59 : i32
    %sign3A_61 = arith.constant 0 : i32
    %sign3A_62 = arith.cmpi sgt, %jit3A_52, %sign3A_61 : i32
    %sign3A_63 = arith.extui %sign3A_62 : i1 to i32
    %sign3A_64 = arith.constant 0 : i32
    %sign3A_65 = arith.cmpi slt, %jit3A_52, %sign3A_64 : i32
    %sign3A_66 = arith.extui %sign3A_65 : i1 to i32
    %sign3A_67 = arith.subi %sign3A_63, %sign3A_66 : i32
    %ne3A_68 = arith.cmpi ne, %sign3A_60, %sign3A_67 : i32
    %rem3A_69 = arith.remsi %sub3A_51, %jit3A_52 : i32
    %ne3A_70 = arith.constant 0 : i32
    %ne3A_71 = arith.cmpi ne, %rem3A_69, %ne3A_70 : i32
    %and3A_72 = arith.andi %ne3A_68, %ne3A_71 : i1
    %sub3A_73 = arith.constant 1 : i32
    %sub3A_74 = arith.subi %div3A_53, %sub3A_73 : i32
    %select_n3A_75 = arith.select %and3A_72, %sub3A_74, %div3A_53 : i32
    %broadcast_in_dim3A_76 = vector.broadcast %select_n3A_75 : i32 to vector<16xi32>
    %scan3A_77 = arith.constant 0 : i32
    %scan3A_78 = arith.constant 0 : i32
    %scan3A_79 = arith.constant 8 : i32
    %scan3A_80 = arith.addi %scan3A_78, %scan3A_79 : i32
    %scan3A_81 = arith.constant 1 : i32
    %scan3A_82 = scf.for %scan3A_87 = %scan3A_78 to %scan3A_80 step %scan3A_81 iter_args(%scan3A_88 = %scan3A_77) -> (i32)  : i32 {
      %mul3A_89 = arith.constant 16 : i32
      %mul3A_90 = arith.muli %scan3A_87, %mul3A_89 : i32
      %swap3A = arith.index_cast %mul3A_90 : i32 to index
      %swap3A_91 = tpu.vector_load %arg13[%swap3A] {strides = array<i32>} : memref<128xi32, #tpu.memory_space<vmem>>, vector<16xi32>,
      tpu.vector_store %arg13[%swap3A], %broadcast_in_dim3A_76 {strides = array<i32>} : memref<128xi32, #tpu.memory_space<vmem>>, vector<16xi32>,
      %scan3A_92 = arith.constant 0 : i32
      scf.yield %scan3A_92 : i32
    }
    %scan3A_83 = arith.constant 8 : i32
    %run_scoped3A_84 = arith.constant 1 : i32
    "tpu.region"() ({
      %run_scoped3A_87 = tpu.sem_alloc : memref<!tpu.dma_semaphore, #tpu.memory_space<semaphore_mem>>
      %dma_start3A = arith.constant 0 : i32
      %dma_start3A_88 = tpu.memref_slice %arg6[%run_scoped3A_84, %add3A, %dma_start3A] : memref<2x32x128xi32, #tpu.memory_space<hbm>> -> memref<1x1x128xi32, #tpu.memory_space<hbm>>
      %dma_start3A_89 = tpu.memref_squeeze %dma_start3A_88 : memref<1x1x128xi32, #tpu.memory_space<hbm>> -> memref<128xi32, #tpu.memory_space<hbm>>
      %dma_start3A_90 = arith.constant 0 : i32
      %dma_start3A_91 = tpu.memref_slice %arg6[%run_scoped3A_84, %add3A, %dma_start3A_90] : memref<2x32x128xi32, #tpu.memory_space<hbm>> -> memref<1x1x128xi32, #tpu.memory_space<hbm>>
      %dma_start3A_92 = tpu.memref_squeeze %dma_start3A_91 : memref<1x1x128xi32, #tpu.memory_space<hbm>> -> memref<128xi32, #tpu.memory_space<hbm>>
      tpu.enqueue_dma source(%arg13 : memref<128xi32, #tpu.memory_space<vmem>>) target(%dma_start3A_92 : memref<128xi32, #tpu.memory_space<hbm>>) target_semaphore(%run_scoped3A_87 : memref<!tpu.dma_semaphore, #tpu.memory_space<semaphore_mem>>)
      %dma_wait3A = arith.constant 0 : i32
      %dma_wait3A_93 = tpu.memref_slice %arg6[%run_scoped3A_84, %add3A, %dma_wait3A] : memref<2x32x128xi32, #tpu.memory_space<hbm>> -> memref<1x1x128xi32, #tpu.memory_space<hbm>>
      %dma_wait3A_94 = tpu.memref_squeeze %dma_wait3A_93 : memref<1x1x128xi32, #tpu.memory_space<hbm>> -> memref<128xi32, #tpu.memory_space<hbm>>
      %dma_wait3A_95 = arith.constant 0 : i32
      %dma_wait3A_96 = tpu.memref_slice %arg6[%run_scoped3A_84, %add3A, %dma_wait3A_95] : memref<2x32x128xi32, #tpu.memory_space<hbm>> -> memref<1x1x128xi32, #tpu.memory_space<hbm>>
      %dma_wait3A_97 = tpu.memref_squeeze %dma_wait3A_96 : memref<1x1x128xi32, #tpu.memory_space<hbm>> -> memref<128xi32, #tpu.memory_space<hbm>>
      tpu.wait_dma2 semaphore(%run_scoped3A_87 : memref<!tpu.dma_semaphore, #tpu.memory_space<semaphore_mem>>) src(%arg13 : memref<128xi32, #tpu.memory_space<vmem>>) dst(%dma_wait3A_97 : memref<128xi32, #tpu.memory_space<hbm>>)
      tpu.yield
    }) : () -> ()
    %run_scoped3A_85 = arith.constant 1 : i32
    "tpu.region"() ({
      %run_scoped3A_87 = tpu.sem_alloc : memref<!tpu.dma_semaphore, #tpu.memory_space<semaphore_mem>>
      %dma_start3A = arith.constant 0 : i32
      %dma_start3A_88 = tpu.memref_slice %arg11[%dma_start3A] : memref<10256xi32, #tpu.memory_space<vmem>> -> memref<10240xi32, #tpu.memory_space<vmem>>
      %dma_start3A_89 = arith.constant 0 : i32
      %dma_start3A_90 = tpu.memref_slice %arg4[%run_scoped3A_85, %add3A, %dma_start3A_89] : memref<2x32x10240xi32, #tpu.memory_space<hbm>> -> memref<1x1x10240xi32, #tpu.memory_space<hbm>>
      %dma_start3A_91 = tpu.memref_squeeze %dma_start3A_90 : memref<1x1x10240xi32, #tpu.memory_space<hbm>> -> memref<10240xi32, #tpu.memory_space<hbm>>
      %dma_start3A_92 = arith.constant 0 : i32
      %dma_start3A_93 = tpu.memref_slice %arg4[%run_scoped3A_85, %add3A, %dma_start3A_92] : memref<2x32x10240xi32, #tpu.memory_space<hbm>> -> memref<1x1x10240xi32, #tpu.memory_space<hbm>>
      %dma_start3A_94 = tpu.memref_squeeze %dma_start3A_93 : memref<1x1x10240xi32, #tpu.memory_space<hbm>> -> memref<10240xi32, #tpu.memory_space<hbm>>
      %dma_start3A_95 = arith.constant 0 : i32
      %dma_start3A_96 = tpu.memref_slice %arg11[%dma_start3A_95] : memref<10256xi32, #tpu.memory_space<vmem>> -> memref<10240xi32, #tpu.memory_space<vmem>>
      tpu.enqueue_dma source(%dma_start3A_96 : memref<10240xi32, #tpu.memory_space<vmem>>) target(%dma_start3A_94 : memref<10240xi32, #tpu.memory_space<hbm>>) target_semaphore(%run_scoped3A_87 : memref<!tpu.dma_semaphore, #tpu.memory_space<semaphore_mem>>)
      %dma_wait3A = arith.constant 0 : i32
      %dma_wait3A_97 = tpu.memref_slice %arg11[%dma_wait3A] : memref<10256xi32, #tpu.memory_space<vmem>> -> memref<10240xi32, #tpu.memory_space<vmem>>
      %dma_wait3A_98 = arith.constant 0 : i32
      %dma_wait3A_99 = tpu.memref_slice %arg4[%run_scoped3A_85, %add3A, %dma_wait3A_98] : memref<2x32x10240xi32, #tpu.memory_space<hbm>> -> memref<1x1x10240xi32, #tpu.memory_space<hbm>>
      %dma_wait3A_100 = tpu.memref_squeeze %dma_wait3A_99 : memref<1x1x10240xi32, #tpu.memory_space<hbm>> -> memref<10240xi32, #tpu.memory_space<hbm>>
      %dma_wait3A_101 = arith.constant 0 : i32
      %dma_wait3A_102 = tpu.memref_slice %arg4[%run_scoped3A_85, %add3A, %dma_wait3A_101] : memref<2x32x10240xi32, #tpu.memory_space<hbm>> -> memref<1x1x10240xi32, #tpu.memory_space<hbm>>
      %dma_wait3A_103 = tpu.memref_squeeze %dma_wait3A_102 : memref<1x1x10240xi32, #tpu.memory_space<hbm>> -> memref<10240xi32, #tpu.memory_space<hbm>>
      %dma_wait3A_104 = arith.constant 0 : i32
      %dma_wait3A_105 = tpu.memref_slice %arg11[%dma_wait3A_104] : memref<10256xi32, #tpu.memory_space<vmem>> -> memref<10240xi32, #tpu.memory_space<vmem>>
      tpu.wait_dma2 semaphore(%run_scoped3A_87 : memref<!tpu.dma_semaphore, #tpu.memory_space<semaphore_mem>>) src(%dma_wait3A_105 : memref<10240xi32, #tpu.memory_space<vmem>>) dst(%dma_wait3A_103 : memref<10240xi32, #tpu.memory_space<hbm>>)
      tpu.yield
    }) : () -> ()
    %run_scoped3A_86 = arith.constant 1 : i32
    "tpu.region"() ({
      %run_scoped3A_87 = tpu.sem_alloc : memref<!tpu.dma_semaphore, #tpu.memory_space<semaphore_mem>>
      %dma_start3A = arith.constant 0 : i32
      %dma_start3A_88 = tpu.memref_slice %arg12[%dma_start3A] : memref<10256xi32, #tpu.memory_space<vmem>> -> memref<10240xi32, #tpu.memory_space<vmem>>
      %dma_start3A_89 = arith.constant 0 : i32
      %dma_start3A_90 = tpu.memref_slice %arg5[%run_scoped3A_86, %add3A, %dma_start3A_89] : memref<2x32x10240xi32, #tpu.memory_space<hbm>> -> memref<1x1x10240xi32, #tpu.memory_space<hbm>>
      %dma_start3A_91 = tpu.memref_squeeze %dma_start3A_90 : memref<1x1x10240xi32, #tpu.memory_space<hbm>> -> memref<10240xi32, #tpu.memory_space<hbm>>
      %dma_start3A_92 = arith.constant 0 : i32
      %dma_start3A_93 = tpu.memref_slice %arg5[%run_scoped3A_86, %add3A, %dma_start3A_92] : memref<2x32x10240xi32, #tpu.memory_space<hbm>> -> memref<1x1x10240xi32, #tpu.memory_space<hbm>>
      %dma_start3A_94 = tpu.memref_squeeze %dma_start3A_93 : memref<1x1x10240xi32, #tpu.memory_space<hbm>> -> memref<10240xi32, #tpu.memory_space<hbm>>
      %dma_start3A_95 = arith.constant 0 : i32
      %dma_start3A_96 = tpu.memref_slice %arg12[%dma_start3A_95] : memref<10256xi32, #tpu.memory_space<vmem>> -> memref<10240xi32, #tpu.memory_space<vmem>>
      tpu.enqueue_dma source(%dma_start3A_96 : memref<10240xi32, #tpu.memory_space<vmem>>) target(%dma_start3A_94 : memref<10240xi32, #tpu.memory_space<hbm>>) target_semaphore(%run_scoped3A_87 : memref<!tpu.dma_semaphore, #tpu.memory_space<semaphore_mem>>)
      %dma_wait3A = arith.constant 0 : i32
      %dma_wait3A_97 = tpu.memref_slice %arg12[%dma_wait3A] : memref<10256xi32, #tpu.memory_space<vmem>> -> memref<10240xi32, #tpu.memory_space<vmem>>
      %dma_wait3A_98 = arith.constant 0 : i32
      %dma_wait3A_99 = tpu.memref_slice %arg5[%run_scoped3A_86, %add3A, %dma_wait3A_98] : memref<2x32x10240xi32, #tpu.memory_space<hbm>> -> memref<1x1x10240xi32, #tpu.memory_space<hbm>>
      %dma_wait3A_100 = tpu.memref_squeeze %dma_wait3A_99 : memref<1x1x10240xi32, #tpu.memory_space<hbm>> -> memref<10240xi32, #tpu.memory_space<hbm>>
      %dma_wait3A_101 = arith.constant 0 : i32
      %dma_wait3A_102 = tpu.memref_slice %arg5[%run_scoped3A_86, %add3A, %dma_wait3A_101] : memref<2x32x10240xi32, #tpu.memory_space<hbm>> -> memref<1x1x10240xi32, #tpu.memory_space<hbm>>
      %dma_wait3A_103 = tpu.memref_squeeze %dma_wait3A_102 : memref<1x1x10240xi32, #tpu.memory_space<hbm>> -> memref<10240xi32, #tpu.memory_space<hbm>>
      %dma_wait3A_104 = arith.constant 0 : i32
      %dma_wait3A_105 = tpu.memref_slice %arg12[%dma_wait3A_104] : memref<10256xi32, #tpu.memory_space<vmem>> -> memref<10240xi32, #tpu.memory_space<vmem>>
      tpu.wait_dma2 semaphore(%run_scoped3A_87 : memref<!tpu.dma_semaphore, #tpu.memory_space<semaphore_mem>>) src(%dma_wait3A_105 : memref<10240xi32, #tpu.memory_space<vmem>>) dst(%dma_wait3A_103 : memref<10240xi32, #tpu.memory_space<hbm>>)
      tpu.yield
    }) : () -> ()
    return
  }
}

#map = affine_map<(d0, d1) -> (0, 0)>
#map1 = affine_map<(d0, d1) -> (0, 0, 0, 0)>
#map2 = affine_map<(d0, d1) -> (0, 0, 0)>
module attributes {stable_mosaic.version = 14 : i64} {
  func.func @_sc_segsum_body(%arg0: i32, %arg1: i32, %arg2: memref<10000x128xf32, #tpu.memory_space<hbm>>, %arg3: memref<2x32x80x128xi32, #tpu.memory_space<hbm>>, %arg4: memref<2x32x80x128xi32, #tpu.memory_space<hbm>>, %arg5: memref<2x32x128xi32, #tpu.memory_space<hbm>>, %arg6: memref<2x2x5120x128xf32, #tpu.memory_space<hbm>>, %arg7: memref<80x128xi32, #tpu.memory_space<vmem>>, %arg8: memref<80x128xi32, #tpu.memory_space<vmem>>, %arg9: memref<128xi32, #tpu.memory_space<vmem>>, %arg10: memref<128x128xf32, #tpu.memory_space<vmem>>, %arg11: memref<128x128xf32, #tpu.memory_space<vmem>>, %arg12: memref<5120x128xf32, #tpu.memory_space<vmem_shared>>, %arg13: memref<!tpu.dma_semaphore, #tpu.memory_space<semaphore_mem>>, %arg14: memref<!tpu.dma_semaphore, #tpu.memory_space<semaphore_mem>>) attributes {dimension_semantics = [#tpu.dimension_semantics<core_parallel>, #tpu.dimension_semantics<subcore_parallel>], iteration_bounds = array<i64: 2, 16>, scalar_prefetch = 0 : i64, scratch_operands = 8 : i64, tpu.core_type = #tpu.core_type<sc_vector_subcore>, window_params = [{transform_indices = #map}, {transform_indices = #map1}, {transform_indices = #map1}, {transform_indices = #map2}, {transform_indices = #map1}]} {
    %mul3A = arith.constant 2 : i32
    %mul3A_0 = arith.muli %arg1, %mul3A : i32
    %add3A = arith.addi %mul3A_0, %arg0 : i32
    %broadcast_in_dim3A = arith.constant 0.000000e+00 : f32
    %broadcast_in_dim3A_1 = vector.broadcast %broadcast_in_dim3A : f32 to vector<16xf32>
    %scan3A = arith.constant 0 : i32
    %scan3A_2 = arith.constant 0 : i32
    %scan3A_3 = arith.constant 1024 : i32
    %scan3A_4 = arith.addi %scan3A_2, %scan3A_3 : i32
    %scan3A_5 = arith.constant 1 : i32
    %scan3A_6 = scf.for %scan3A_82 = %scan3A_2 to %scan3A_4 step %scan3A_5 iter_args(%scan3A_83 = %scan3A) -> (i32)  : i32 {
      %jit3A = arith.constant 8 : i32
      %div3A = arith.divsi %scan3A_82, %jit3A : i32
      %sign3A = arith.constant 0 : i32
      %sign3A_84 = arith.cmpi sgt, %scan3A_82, %sign3A : i32
      %sign3A_85 = arith.extui %sign3A_84 : i1 to i32
      %sign3A_86 = arith.constant 0 : i32
      %sign3A_87 = arith.cmpi slt, %scan3A_82, %sign3A_86 : i32
      %sign3A_88 = arith.extui %sign3A_87 : i1 to i32
      %sign3A_89 = arith.subi %sign3A_85, %sign3A_88 : i32
      %sign3A_90 = arith.constant 0 : i32
      %sign3A_91 = arith.cmpi sgt, %jit3A, %sign3A_90 : i32
      %sign3A_92 = arith.extui %sign3A_91 : i1 to i32
      %sign3A_93 = arith.constant 0 : i32
      %sign3A_94 = arith.cmpi slt, %jit3A, %sign3A_93 : i32
      %sign3A_95 = arith.extui %sign3A_94 : i1 to i32
      %sign3A_96 = arith.subi %sign3A_92, %sign3A_95 : i32
      %ne3A = arith.cmpi ne, %sign3A_89, %sign3A_96 : i32
      %rem3A = arith.remsi %scan3A_82, %jit3A : i32
      %ne3A_97 = arith.constant 0 : i32
      %ne3A_98 = arith.cmpi ne, %rem3A, %ne3A_97 : i32
      %and3A = arith.andi %ne3A, %ne3A_98 : i1
      %sub3A = arith.constant 1 : i32
      %sub3A_99 = arith.subi %div3A, %sub3A : i32
      %select_n3A = arith.select %and3A, %sub3A_99, %div3A : i32
      %jit3A_100 = arith.constant 8 : i32
      %eq3A = arith.constant 0 : i32
      %eq3A_101 = arith.cmpi eq, %jit3A_100, %eq3A : i32
      %jit3A_102 = arith.constant 1 : i32
      %select_n3A_103 = arith.select %eq3A_101, %jit3A_102, %jit3A_100 : i32
      %rem3A_104 = arith.remsi %scan3A_82, %select_n3A_103 : i32
      %ne3A_105 = arith.constant 0 : i32
      %ne3A_106 = arith.cmpi ne, %rem3A_104, %ne3A_105 : i32
      %lt3A = arith.constant 0 : i32
      %lt3A_107 = arith.cmpi slt, %rem3A_104, %lt3A : i32
      %lt3A_108 = arith.constant 0 : i32
      %lt3A_109 = arith.cmpi slt, %select_n3A_103, %lt3A_108 : i32
      %ne3A_110 = arith.xori %lt3A_107, %lt3A_109 : i1
      %and3A_111 = arith.andi %ne3A_110, %ne3A_106 : i1
      %add3A_112 = arith.addi %rem3A_104, %select_n3A_103 : i32
      %select_n3A_113 = arith.select %and3A_111, %add3A_112, %rem3A_104 : i32
      %mul3A_114 = arith.constant 16 : i32
      %mul3A_115 = arith.muli %select_n3A_113, %mul3A_114 : i32
      %swap3A = arith.index_cast %select_n3A : i32 to index
      %swap3A_116 = arith.index_cast %mul3A_115 : i32 to index
      %swap3A_117 = tpu.vector_load %arg11[%swap3A, %swap3A_116] {strides = array<i32>} : memref<128x128xf32, #tpu.memory_space<vmem>>, vector<1x16xf32>,
      %swap3A_118 = vector.shape_cast %swap3A_117 : vector<1x16xf32> to vector<16xf32>
      %swap3A_119 = vector.shape_cast %broadcast_in_dim3A_1 : vector<16xf32> to vector<1x16xf32>
      tpu.vector_store %arg11[%swap3A, %swap3A_116], %swap3A_119 {strides = array<i32>} : memref<128x128xf32, #tpu.memory_space<vmem>>, vector<1x16xf32>,
      %scan3A_120 = arith.constant 0 : i32
      scf.yield %scan3A_120 : i32
    }
    %scan3A_7 = arith.constant 1024 : i32
    %mul3A_8 = arith.constant 320 : i32
    %mul3A_9 = arith.muli %arg1, %mul3A_8 : i32
    %add3A_10 = arith.constant 0 : i32
    %add3A_11 = arith.addi %mul3A_9, %add3A_10 : i32
    "tpu.region"() ({
      %run_scoped3A_82 = tpu.sem_alloc : memref<!tpu.dma_semaphore, #tpu.memory_space<semaphore_mem>>
      %dma_start3A = arith.constant 0 : i32
      %dma_start3A_83 = arith.constant 0 : i32
      %dma_start3A_84 = tpu.memref_slice %arg11[%dma_start3A, %dma_start3A_83] : memref<128x128xf32, #tpu.memory_space<vmem>> -> memref<128x128xf32, #tpu.memory_space<vmem>>
      %dma_start3A_85 = arith.constant 0 : i32
      %dma_start3A_86 = tpu.memref_slice %arg12[%add3A_11, %dma_start3A_85] : memref<5120x128xf32, #tpu.memory_space<vmem_shared>> -> memref<128x128xf32, #tpu.memory_space<vmem_shared>>
      %dma_start3A_87 = arith.constant 0 : i32
      %dma_start3A_88 = tpu.memref_slice %arg12[%add3A_11, %dma_start3A_87] : memref<5120x128xf32, #tpu.memory_space<vmem_shared>> -> memref<128x128xf32, #tpu.memory_space<vmem_shared>>
      %dma_start3A_89 = arith.constant 0 : i32
      %dma_start3A_90 = arith.constant 0 : i32
      %dma_start3A_91 = tpu.memref_slice %arg11[%dma_start3A_89, %dma_start3A_90] : memref<128x128xf32, #tpu.memory_space<vmem>> -> memref<128x128xf32, #tpu.memory_space<vmem>>
      tpu.enqueue_dma source(%dma_start3A_91 : memref<128x128xf32, #tpu.memory_space<vmem>>) target(%dma_start3A_88 : memref<128x128xf32, #tpu.memory_space<vmem_shared>>) target_semaphore(%run_scoped3A_82 : memref<!tpu.dma_semaphore, #tpu.memory_space<semaphore_mem>>)
      %dma_wait3A = arith.constant 0 : i32
      %dma_wait3A_92 = arith.constant 0 : i32
      %dma_wait3A_93 = tpu.memref_slice %arg11[%dma_wait3A, %dma_wait3A_92] : memref<128x128xf32, #tpu.memory_space<vmem>> -> memref<128x128xf32, #tpu.memory_space<vmem>>
      %dma_wait3A_94 = arith.constant 0 : i32
      %dma_wait3A_95 = tpu.memref_slice %arg12[%add3A_11, %dma_wait3A_94] : memref<5120x128xf32, #tpu.memory_space<vmem_shared>> -> memref<128x128xf32, #tpu.memory_space<vmem_shared>>
      %dma_wait3A_96 = arith.constant 0 : i32
      %dma_wait3A_97 = tpu.memref_slice %arg12[%add3A_11, %dma_wait3A_96] : memref<5120x128xf32, #tpu.memory_space<vmem_shared>> -> memref<128x128xf32, #tpu.memory_space<vmem_shared>>
      %dma_wait3A_98 = arith.constant 0 : i32
      %dma_wait3A_99 = arith.constant 0 : i32
      %dma_wait3A_100 = tpu.memref_slice %arg11[%dma_wait3A_98, %dma_wait3A_99] : memref<128x128xf32, #tpu.memory_space<vmem>> -> memref<128x128xf32, #tpu.memory_space<vmem>>
      tpu.wait_dma2 semaphore(%run_scoped3A_82 : memref<!tpu.dma_semaphore, #tpu.memory_space<semaphore_mem>>) src(%dma_wait3A_100 : memref<128x128xf32, #tpu.memory_space<vmem>>) dst(%dma_wait3A_97 : memref<128x128xf32, #tpu.memory_space<vmem_shared>>)
      tpu.yield
    }) : () -> ()
    %mul3A_12 = arith.constant 320 : i32
    %mul3A_13 = arith.muli %arg1, %mul3A_12 : i32
    %add3A_14 = arith.constant 128 : i32
    %add3A_15 = arith.addi %mul3A_13, %add3A_14 : i32
    "tpu.region"() ({
      %run_scoped3A_82 = tpu.sem_alloc : memref<!tpu.dma_semaphore, #tpu.memory_space<semaphore_mem>>
      %dma_start3A = arith.constant 0 : i32
      %dma_start3A_83 = arith.constant 0 : i32
      %dma_start3A_84 = tpu.memref_slice %arg11[%dma_start3A, %dma_start3A_83] : memref<128x128xf32, #tpu.memory_space<vmem>> -> memref<128x128xf32, #tpu.memory_space<vmem>>
      %dma_start3A_85 = arith.constant 0 : i32
      %dma_start3A_86 = tpu.memref_slice %arg12[%add3A_15, %dma_start3A_85] : memref<5120x128xf32, #tpu.memory_space<vmem_shared>> -> memref<128x128xf32, #tpu.memory_space<vmem_shared>>
      %dma_start3A_87 = arith.constant 0 : i32
      %dma_start3A_88 = tpu.memref_slice %arg12[%add3A_15, %dma_start3A_87] : memref<5120x128xf32, #tpu.memory_space<vmem_shared>> -> memref<128x128xf32, #tpu.memory_space<vmem_shared>>
      %dma_start3A_89 = arith.constant 0 : i32
      %dma_start3A_90 = arith.constant 0 : i32
      %dma_start3A_91 = tpu.memref_slice %arg11[%dma_start3A_89, %dma_start3A_90] : memref<128x128xf32, #tpu.memory_space<vmem>> -> memref<128x128xf32, #tpu.memory_space<vmem>>
      tpu.enqueue_dma source(%dma_start3A_91 : memref<128x128xf32, #tpu.memory_space<vmem>>) target(%dma_start3A_88 : memref<128x128xf32, #tpu.memory_space<vmem_shared>>) target_semaphore(%run_scoped3A_82 : memref<!tpu.dma_semaphore, #tpu.memory_space<semaphore_mem>>)
      %dma_wait3A = arith.constant 0 : i32
      %dma_wait3A_92 = arith.constant 0 : i32
      %dma_wait3A_93 = tpu.memref_slice %arg11[%dma_wait3A, %dma_wait3A_92] : memref<128x128xf32, #tpu.memory_space<vmem>> -> memref<128x128xf32, #tpu.memory_space<vmem>>
      %dma_wait3A_94 = arith.constant 0 : i32
      %dma_wait3A_95 = tpu.memref_slice %arg12[%add3A_15, %dma_wait3A_94] : memref<5120x128xf32, #tpu.memory_space<vmem_shared>> -> memref<128x128xf32, #tpu.memory_space<vmem_shared>>
      %dma_wait3A_96 = arith.constant 0 : i32
      %dma_wait3A_97 = tpu.memref_slice %arg12[%add3A_15, %dma_wait3A_96] : memref<5120x128xf32, #tpu.memory_space<vmem_shared>> -> memref<128x128xf32, #tpu.memory_space<vmem_shared>>
      %dma_wait3A_98 = arith.constant 0 : i32
      %dma_wait3A_99 = arith.constant 0 : i32
      %dma_wait3A_100 = tpu.memref_slice %arg11[%dma_wait3A_98, %dma_wait3A_99] : memref<128x128xf32, #tpu.memory_space<vmem>> -> memref<128x128xf32, #tpu.memory_space<vmem>>
      tpu.wait_dma2 semaphore(%run_scoped3A_82 : memref<!tpu.dma_semaphore, #tpu.memory_space<semaphore_mem>>) src(%dma_wait3A_100 : memref<128x128xf32, #tpu.memory_space<vmem>>) dst(%dma_wait3A_97 : memref<128x128xf32, #tpu.memory_space<vmem_shared>>)
      tpu.yield
    }) : () -> ()
    %mul3A_16 = arith.constant 320 : i32
    %mul3A_17 = arith.muli %arg1, %mul3A_16 : i32
    %add3A_18 = arith.constant 256 : i32
    %add3A_19 = arith.addi %mul3A_17, %add3A_18 : i32
    "tpu.region"() ({
      %run_scoped3A_82 = tpu.sem_alloc : memref<!tpu.dma_semaphore, #tpu.memory_space<semaphore_mem>>
      %dma_start3A = arith.constant 0 : i32
      %dma_start3A_83 = arith.constant 0 : i32
      %dma_start3A_84 = tpu.memref_slice %arg11[%dma_start3A, %dma_start3A_83] : memref<128x128xf32, #tpu.memory_space<vmem>> -> memref<64x128xf32, #tpu.memory_space<vmem>>
      %dma_start3A_85 = arith.constant 0 : i32
      %dma_start3A_86 = tpu.memref_slice %arg12[%add3A_19, %dma_start3A_85] : memref<5120x128xf32, #tpu.memory_space<vmem_shared>> -> memref<64x128xf32, #tpu.memory_space<vmem_shared>>
      %dma_start3A_87 = arith.constant 0 : i32
      %dma_start3A_88 = tpu.memref_slice %arg12[%add3A_19, %dma_start3A_87] : memref<5120x128xf32, #tpu.memory_space<vmem_shared>> -> memref<64x128xf32, #tpu.memory_space<vmem_shared>>
      %dma_start3A_89 = arith.constant 0 : i32
      %dma_start3A_90 = arith.constant 0 : i32
      %dma_start3A_91 = tpu.memref_slice %arg11[%dma_start3A_89, %dma_start3A_90] : memref<128x128xf32, #tpu.memory_space<vmem>> -> memref<64x128xf32, #tpu.memory_space<vmem>>
      tpu.enqueue_dma source(%dma_start3A_91 : memref<64x128xf32, #tpu.memory_space<vmem>>) target(%dma_start3A_88 : memref<64x128xf32, #tpu.memory_space<vmem_shared>>) target_semaphore(%run_scoped3A_82 : memref<!tpu.dma_semaphore, #tpu.memory_space<semaphore_mem>>)
      %dma_wait3A = arith.constant 0 : i32
      %dma_wait3A_92 = arith.constant 0 : i32
      %dma_wait3A_93 = tpu.memref_slice %arg11[%dma_wait3A, %dma_wait3A_92] : memref<128x128xf32, #tpu.memory_space<vmem>> -> memref<64x128xf32, #tpu.memory_space<vmem>>
      %dma_wait3A_94 = arith.constant 0 : i32
      %dma_wait3A_95 = tpu.memref_slice %arg12[%add3A_19, %dma_wait3A_94] : memref<5120x128xf32, #tpu.memory_space<vmem_shared>> -> memref<64x128xf32, #tpu.memory_space<vmem_shared>>
      %dma_wait3A_96 = arith.constant 0 : i32
      %dma_wait3A_97 = tpu.memref_slice %arg12[%add3A_19, %dma_wait3A_96] : memref<5120x128xf32, #tpu.memory_space<vmem_shared>> -> memref<64x128xf32, #tpu.memory_space<vmem_shared>>
      %dma_wait3A_98 = arith.constant 0 : i32
      %dma_wait3A_99 = arith.constant 0 : i32
      %dma_wait3A_100 = tpu.memref_slice %arg11[%dma_wait3A_98, %dma_wait3A_99] : memref<128x128xf32, #tpu.memory_space<vmem>> -> memref<64x128xf32, #tpu.memory_space<vmem>>
      tpu.wait_dma2 semaphore(%run_scoped3A_82 : memref<!tpu.dma_semaphore, #tpu.memory_space<semaphore_mem>>) src(%dma_wait3A_100 : memref<64x128xf32, #tpu.memory_space<vmem>>) dst(%dma_wait3A_97 : memref<64x128xf32, #tpu.memory_space<vmem_shared>>)
      tpu.yield
    }) : () -> ()
    %run_scoped3A = arith.constant 0 : i32
    "tpu.region"() ({
      %run_scoped3A_82 = tpu.sem_alloc : memref<!tpu.dma_semaphore, #tpu.memory_space<semaphore_mem>>
      %dma_start3A = arith.constant 0 : i32
      %dma_start3A_83 = arith.constant 0 : i32
      %dma_start3A_84 = tpu.memref_slice %arg3[%run_scoped3A, %add3A, %dma_start3A, %dma_start3A_83] : memref<2x32x80x128xi32, #tpu.memory_space<hbm>> -> memref<1x1x80x128xi32, #tpu.memory_space<hbm>>
      %dma_start3A_85 = tpu.memref_squeeze %dma_start3A_84 : memref<1x1x80x128xi32, #tpu.memory_space<hbm>> -> memref<80x128xi32, #tpu.memory_space<hbm>>
      %dma_start3A_86 = arith.constant 0 : i32
      %dma_start3A_87 = arith.constant 0 : i32
      %dma_start3A_88 = tpu.memref_slice %arg3[%run_scoped3A, %add3A, %dma_start3A_86, %dma_start3A_87] : memref<2x32x80x128xi32, #tpu.memory_space<hbm>> -> memref<1x1x80x128xi32, #tpu.memory_space<hbm>>
      %dma_start3A_89 = tpu.memref_squeeze %dma_start3A_88 : memref<1x1x80x128xi32, #tpu.memory_space<hbm>> -> memref<80x128xi32, #tpu.memory_space<hbm>>
      tpu.enqueue_dma source(%dma_start3A_89 : memref<80x128xi32, #tpu.memory_space<hbm>>) target(%arg7 : memref<80x128xi32, #tpu.memory_space<vmem>>) target_semaphore(%run_scoped3A_82 : memref<!tpu.dma_semaphore, #tpu.memory_space<semaphore_mem>>)
      %dma_wait3A = arith.constant 0 : i32
      %dma_wait3A_90 = arith.constant 0 : i32
      %dma_wait3A_91 = tpu.memref_slice %arg3[%run_scoped3A, %add3A, %dma_wait3A, %dma_wait3A_90] : memref<2x32x80x128xi32, #tpu.memory_space<hbm>> -> memref<1x1x80x128xi32, #tpu.memory_space<hbm>>
      %dma_wait3A_92 = tpu.memref_squeeze %dma_wait3A_91 : memref<1x1x80x128xi32, #tpu.memory_space<hbm>> -> memref<80x128xi32, #tpu.memory_space<hbm>>
      %dma_wait3A_93 = arith.constant 0 : i32
      %dma_wait3A_94 = arith.constant 0 : i32
      %dma_wait3A_95 = tpu.memref_slice %arg3[%run_scoped3A, %add3A, %dma_wait3A_93, %dma_wait3A_94] : memref<2x32x80x128xi32, #tpu.memory_space<hbm>> -> memref<1x1x80x128xi32, #tpu.memory_space<hbm>>
      %dma_wait3A_96 = tpu.memref_squeeze %dma_wait3A_95 : memref<1x1x80x128xi32, #tpu.memory_space<hbm>> -> memref<80x128xi32, #tpu.memory_space<hbm>>
      tpu.wait_dma2 semaphore(%run_scoped3A_82 : memref<!tpu.dma_semaphore, #tpu.memory_space<semaphore_mem>>) src(%dma_wait3A_96 : memref<80x128xi32, #tpu.memory_space<hbm>>) dst(%arg7 : memref<80x128xi32, #tpu.memory_space<vmem>>)
      tpu.yield
    }) : () -> ()
    %run_scoped3A_20 = arith.constant 0 : i32
    "tpu.region"() ({
      %run_scoped3A_82 = tpu.sem_alloc : memref<!tpu.dma_semaphore, #tpu.memory_space<semaphore_mem>>
      %dma_start3A = arith.constant 0 : i32
      %dma_start3A_83 = arith.constant 0 : i32
      %dma_start3A_84 = tpu.memref_slice %arg4[%run_scoped3A_20, %add3A, %dma_start3A, %dma_start3A_83] : memref<2x32x80x128xi32, #tpu.memory_space<hbm>> -> memref<1x1x80x128xi32, #tpu.memory_space<hbm>>
      %dma_start3A_85 = tpu.memref_squeeze %dma_start3A_84 : memref<1x1x80x128xi32, #tpu.memory_space<hbm>> -> memref<80x128xi32, #tpu.memory_space<hbm>>
      %dma_start3A_86 = arith.constant 0 : i32
      %dma_start3A_87 = arith.constant 0 : i32
      %dma_start3A_88 = tpu.memref_slice %arg4[%run_scoped3A_20, %add3A, %dma_start3A_86, %dma_start3A_87] : memref<2x32x80x128xi32, #tpu.memory_space<hbm>> -> memref<1x1x80x128xi32, #tpu.memory_space<hbm>>
      %dma_start3A_89 = tpu.memref_squeeze %dma_start3A_88 : memref<1x1x80x128xi32, #tpu.memory_space<hbm>> -> memref<80x128xi32, #tpu.memory_space<hbm>>
      tpu.enqueue_dma source(%dma_start3A_89 : memref<80x128xi32, #tpu.memory_space<hbm>>) target(%arg8 : memref<80x128xi32, #tpu.memory_space<vmem>>) target_semaphore(%run_scoped3A_82 : memref<!tpu.dma_semaphore, #tpu.memory_space<semaphore_mem>>)
      %dma_wait3A = arith.constant 0 : i32
      %dma_wait3A_90 = arith.constant 0 : i32
      %dma_wait3A_91 = tpu.memref_slice %arg4[%run_scoped3A_20, %add3A, %dma_wait3A, %dma_wait3A_90] : memref<2x32x80x128xi32, #tpu.memory_space<hbm>> -> memref<1x1x80x128xi32, #tpu.memory_space<hbm>>
      %dma_wait3A_92 = tpu.memref_squeeze %dma_wait3A_91 : memref<1x1x80x128xi32, #tpu.memory_space<hbm>> -> memref<80x128xi32, #tpu.memory_space<hbm>>
      %dma_wait3A_93 = arith.constant 0 : i32
      %dma_wait3A_94 = arith.constant 0 : i32
      %dma_wait3A_95 = tpu.memref_slice %arg4[%run_scoped3A_20, %add3A, %dma_wait3A_93, %dma_wait3A_94] : memref<2x32x80x128xi32, #tpu.memory_space<hbm>> -> memref<1x1x80x128xi32, #tpu.memory_space<hbm>>
      %dma_wait3A_96 = tpu.memref_squeeze %dma_wait3A_95 : memref<1x1x80x128xi32, #tpu.memory_space<hbm>> -> memref<80x128xi32, #tpu.memory_space<hbm>>
      tpu.wait_dma2 semaphore(%run_scoped3A_82 : memref<!tpu.dma_semaphore, #tpu.memory_space<semaphore_mem>>) src(%dma_wait3A_96 : memref<80x128xi32, #tpu.memory_space<hbm>>) dst(%arg8 : memref<80x128xi32, #tpu.memory_space<vmem>>)
      tpu.yield
    }) : () -> ()
    %run_scoped3A_21 = arith.constant 0 : i32
    "tpu.region"() ({
      %run_scoped3A_82 = tpu.sem_alloc : memref<!tpu.dma_semaphore, #tpu.memory_space<semaphore_mem>>
      %dma_start3A = arith.constant 0 : i32
      %dma_start3A_83 = tpu.memref_slice %arg5[%run_scoped3A_21, %add3A, %dma_start3A] : memref<2x32x128xi32, #tpu.memory_space<hbm>> -> memref<1x1x128xi32, #tpu.memory_space<hbm>>
      %dma_start3A_84 = tpu.memref_squeeze %dma_start3A_83 : memref<1x1x128xi32, #tpu.memory_space<hbm>> -> memref<128xi32, #tpu.memory_space<hbm>>
      %dma_start3A_85 = arith.constant 0 : i32
      %dma_start3A_86 = tpu.memref_slice %arg5[%run_scoped3A_21, %add3A, %dma_start3A_85] : memref<2x32x128xi32, #tpu.memory_space<hbm>> -> memref<1x1x128xi32, #tpu.memory_space<hbm>>
      %dma_start3A_87 = tpu.memref_squeeze %dma_start3A_86 : memref<1x1x128xi32, #tpu.memory_space<hbm>> -> memref<128xi32, #tpu.memory_space<hbm>>
      tpu.enqueue_dma source(%dma_start3A_87 : memref<128xi32, #tpu.memory_space<hbm>>) target(%arg9 : memref<128xi32, #tpu.memory_space<vmem>>) target_semaphore(%run_scoped3A_82 : memref<!tpu.dma_semaphore, #tpu.memory_space<semaphore_mem>>)
      %dma_wait3A = arith.constant 0 : i32
      %dma_wait3A_88 = tpu.memref_slice %arg5[%run_scoped3A_21, %add3A, %dma_wait3A] : memref<2x32x128xi32, #tpu.memory_space<hbm>> -> memref<1x1x128xi32, #tpu.memory_space<hbm>>
      %dma_wait3A_89 = tpu.memref_squeeze %dma_wait3A_88 : memref<1x1x128xi32, #tpu.memory_space<hbm>> -> memref<128xi32, #tpu.memory_space<hbm>>
      %dma_wait3A_90 = arith.constant 0 : i32
      %dma_wait3A_91 = tpu.memref_slice %arg5[%run_scoped3A_21, %add3A, %dma_wait3A_90] : memref<2x32x128xi32, #tpu.memory_space<hbm>> -> memref<1x1x128xi32, #tpu.memory_space<hbm>>
      %dma_wait3A_92 = tpu.memref_squeeze %dma_wait3A_91 : memref<1x1x128xi32, #tpu.memory_space<hbm>> -> memref<128xi32, #tpu.memory_space<hbm>>
      tpu.wait_dma2 semaphore(%run_scoped3A_82 : memref<!tpu.dma_semaphore, #tpu.memory_space<semaphore_mem>>) src(%dma_wait3A_92 : memref<128xi32, #tpu.memory_space<hbm>>) dst(%arg9 : memref<128xi32, #tpu.memory_space<vmem>>)
      tpu.yield
    }) : () -> ()
    %get3A = arith.constant 0 : index
    %get3A_22 = tpu.vector_load %arg9[%get3A] {strides = array<i32>} : memref<128xi32, #tpu.memory_space<vmem>>, vector<16xi32>,
    %get3A_23 = vector.shape_cast %get3A_22 : vector<16xi32> to vector<16xi32>
    %slice3A = vector.extract_strided_slice %get3A_23 {offsets = [0], sizes = [1], strides = [1]} : vector<16xi32> to vector<1xi32>
    %squeeze3A = vector.extract %slice3A[0] : i32 from vector<1xi32>
    %barrier3A = arith.constant 0 : index
    tpu.barrier barrier_id(%barrier3A)
    %while3A = arith.constant 0 : i32
    %while3A_24 = arith.constant 0 : i32
    %while3A_25 = arith.subi %squeeze3A, %while3A : i32
    %while3A_26 = arith.addi %while3A, %while3A_25 : i32
    %while3A_27 = arith.constant 1 : i32
    %while3A_28 = arith.divsi %while3A_25, %while3A_27 : i32
    %while3A_29 = arith.muli %while3A_28, %while3A_27 : i32
    %while3A_30 = arith.addi %while3A, %while3A_29 : i32
    %while3A_31 = arith.constant 1 : i32
    %while3A_32 = scf.for %while3A_82 = %while3A to %while3A_30 step %while3A_31 iter_args(%while3A_83 = %while3A_24) -> (i32)  : i32 {
      %dma_start3A = arith.constant 0 : i32
      %dma_start3A_84 = tpu.memref_slice %arg7[%while3A_82, %dma_start3A] : memref<80x128xi32, #tpu.memory_space<vmem>> -> memref<1x128xi32, #tpu.memory_space<vmem>>
      %dma_start3A_85 = tpu.memref_squeeze %dma_start3A_84 : memref<1x128xi32, #tpu.memory_space<vmem>> -> memref<128xi32, #tpu.memory_space<vmem>>
      %dma_start3A_86 = arith.constant 0 : i32
      %dma_start3A_87 = arith.constant 0 : i32
      %dma_start3A_88 = tpu.memref_slice %arg2[%dma_start3A_86, %dma_start3A_87] : memref<10000x128xf32, #tpu.memory_space<hbm>> -> memref<10000x128xf32, #tpu.memory_space<hbm>>
      tpu.enqueue_indirect_dma source(%dma_start3A_88 : memref<10000x128xf32, #tpu.memory_space<hbm>>) target(%arg10 : memref<128x128xf32, #tpu.memory_space<vmem>>) offsets(%dma_start3A_85 : memref<128xi32, #tpu.memory_space<vmem>>) semaphore(%arg13 : memref<!tpu.dma_semaphore, #tpu.memory_space<semaphore_mem>>)
      %dma_wait3A = arith.constant 0 : i32
      %dma_wait3A_89 = tpu.memref_slice %arg7[%while3A_82, %dma_wait3A] : memref<80x128xi32, #tpu.memory_space<vmem>> -> memref<1x128xi32, #tpu.memory_space<vmem>>
      %dma_wait3A_90 = tpu.memref_squeeze %dma_wait3A_89 : memref<1x128xi32, #tpu.memory_space<vmem>> -> memref<128xi32, #tpu.memory_space<vmem>>
      %dma_wait3A_91 = arith.constant 0 : i32
      %dma_wait3A_92 = arith.constant 0 : i32
      %dma_wait3A_93 = tpu.memref_slice %arg2[%dma_wait3A_91, %dma_wait3A_92] : memref<10000x128xf32, #tpu.memory_space<hbm>> -> memref<10000x128xf32, #tpu.memory_space<hbm>>
      tpu.wait_indirect_dma semaphore(%arg13 : memref<!tpu.dma_semaphore, #tpu.memory_space<semaphore_mem>>) src(%dma_wait3A_93 : memref<10000x128xf32, #tpu.memory_space<hbm>>) dst(%arg10 : memref<128x128xf32, #tpu.memory_space<vmem>>)
      %dma_start3A_94 = arith.constant 0 : i32
      %dma_start3A_95 = tpu.memref_slice %arg8[%while3A_82, %dma_start3A_94] : memref<80x128xi32, #tpu.memory_space<vmem>> -> memref<1x128xi32, #tpu.memory_space<vmem>>
      %dma_start3A_96 = tpu.memref_squeeze %dma_start3A_95 : memref<1x128xi32, #tpu.memory_space<vmem>> -> memref<128xi32, #tpu.memory_space<vmem>>
      %dma_start3A_97 = arith.constant 0 : i32
      %dma_start3A_98 = arith.constant 0 : i32
      %dma_start3A_99 = tpu.memref_slice %arg12[%dma_start3A_97, %dma_start3A_98] : memref<5120x128xf32, #tpu.memory_space<vmem_shared>> -> memref<5120x128xf32, #tpu.memory_space<vmem_shared>>
      tpu.enqueue_indirect_dma source(%arg10 : memref<128x128xf32, #tpu.memory_space<vmem>>) target(%dma_start3A_99 : memref<5120x128xf32, #tpu.memory_space<vmem_shared>>) offsets(%dma_start3A_96 : memref<128xi32, #tpu.memory_space<vmem>>) semaphore(%arg14 : memref<!tpu.dma_semaphore, #tpu.memory_space<semaphore_mem>>) {add = true}
      %dma_wait3A_100 = arith.constant 0 : i32
      %dma_wait3A_101 = tpu.memref_slice %arg8[%while3A_82, %dma_wait3A_100] : memref<80x128xi32, #tpu.memory_space<vmem>> -> memref<1x128xi32, #tpu.memory_space<vmem>>
      %dma_wait3A_102 = tpu.memref_squeeze %dma_wait3A_101 : memref<1x128xi32, #tpu.memory_space<vmem>> -> memref<128xi32, #tpu.memory_space<vmem>>
      %dma_wait3A_103 = arith.constant 0 : i32
      %dma_wait3A_104 = arith.constant 0 : i32
      %dma_wait3A_105 = tpu.memref_slice %arg12[%dma_wait3A_103, %dma_wait3A_104] : memref<5120x128xf32, #tpu.memory_space<vmem_shared>> -> memref<5120x128xf32, #tpu.memory_space<vmem_shared>>
      tpu.wait_indirect_dma semaphore(%arg14 : memref<!tpu.dma_semaphore, #tpu.memory_space<semaphore_mem>>) src(%arg10 : memref<128x128xf32, #tpu.memory_space<vmem>>) dst(%dma_wait3A_105 : memref<5120x128xf32, #tpu.memory_space<vmem_shared>>)
      %while3A_106 = arith.constant 0 : i32
      scf.yield %while3A_106 : i32
    }
    %while3A_33 = arith.constant 1 : i32
    %while3A_34 = scf.for %while3A_82 = %while3A_30 to %while3A_26 step %while3A_33 iter_args(%while3A_83 = %while3A_32) -> (i32)  : i32 {
      %dma_start3A = arith.constant 0 : i32
      %dma_start3A_84 = tpu.memref_slice %arg7[%while3A_82, %dma_start3A] : memref<80x128xi32, #tpu.memory_space<vmem>> -> memref<1x128xi32, #tpu.memory_space<vmem>>
      %dma_start3A_85 = tpu.memref_squeeze %dma_start3A_84 : memref<1x128xi32, #tpu.memory_space<vmem>> -> memref<128xi32, #tpu.memory_space<vmem>>
      %dma_start3A_86 = arith.constant 0 : i32
      %dma_start3A_87 = arith.constant 0 : i32
      %dma_start3A_88 = tpu.memref_slice %arg2[%dma_start3A_86, %dma_start3A_87] : memref<10000x128xf32, #tpu.memory_space<hbm>> -> memref<10000x128xf32, #tpu.memory_space<hbm>>
      tpu.enqueue_indirect_dma source(%dma_start3A_88 : memref<10000x128xf32, #tpu.memory_space<hbm>>) target(%arg10 : memref<128x128xf32, #tpu.memory_space<vmem>>) offsets(%dma_start3A_85 : memref<128xi32, #tpu.memory_space<vmem>>) semaphore(%arg13 : memref<!tpu.dma_semaphore, #tpu.memory_space<semaphore_mem>>)
      %dma_wait3A = arith.constant 0 : i32
      %dma_wait3A_89 = tpu.memref_slice %arg7[%while3A_82, %dma_wait3A] : memref<80x128xi32, #tpu.memory_space<vmem>> -> memref<1x128xi32, #tpu.memory_space<vmem>>
      %dma_wait3A_90 = tpu.memref_squeeze %dma_wait3A_89 : memref<1x128xi32, #tpu.memory_space<vmem>> -> memref<128xi32, #tpu.memory_space<vmem>>
      %dma_wait3A_91 = arith.constant 0 : i32
      %dma_wait3A_92 = arith.constant 0 : i32
      %dma_wait3A_93 = tpu.memref_slice %arg2[%dma_wait3A_91, %dma_wait3A_92] : memref<10000x128xf32, #tpu.memory_space<hbm>> -> memref<10000x128xf32, #tpu.memory_space<hbm>>
      tpu.wait_indirect_dma semaphore(%arg13 : memref<!tpu.dma_semaphore, #tpu.memory_space<semaphore_mem>>) src(%dma_wait3A_93 : memref<10000x128xf32, #tpu.memory_space<hbm>>) dst(%arg10 : memref<128x128xf32, #tpu.memory_space<vmem>>)
      %dma_start3A_94 = arith.constant 0 : i32
      %dma_start3A_95 = tpu.memref_slice %arg8[%while3A_82, %dma_start3A_94] : memref<80x128xi32, #tpu.memory_space<vmem>> -> memref<1x128xi32, #tpu.memory_space<vmem>>
      %dma_start3A_96 = tpu.memref_squeeze %dma_start3A_95 : memref<1x128xi32, #tpu.memory_space<vmem>> -> memref<128xi32, #tpu.memory_space<vmem>>
      %dma_start3A_97 = arith.constant 0 : i32
      %dma_start3A_98 = arith.constant 0 : i32
      %dma_start3A_99 = tpu.memref_slice %arg12[%dma_start3A_97, %dma_start3A_98] : memref<5120x128xf32, #tpu.memory_space<vmem_shared>> -> memref<5120x128xf32, #tpu.memory_space<vmem_shared>>
      tpu.enqueue_indirect_dma source(%arg10 : memref<128x128xf32, #tpu.memory_space<vmem>>) target(%dma_start3A_99 : memref<5120x128xf32, #tpu.memory_space<vmem_shared>>) offsets(%dma_start3A_96 : memref<128xi32, #tpu.memory_space<vmem>>) semaphore(%arg14 : memref<!tpu.dma_semaphore, #tpu.memory_space<semaphore_mem>>) {add = true}
      %dma_wait3A_100 = arith.constant 0 : i32
      %dma_wait3A_101 = tpu.memref_slice %arg8[%while3A_82, %dma_wait3A_100] : memref<80x128xi32, #tpu.memory_space<vmem>> -> memref<1x128xi32, #tpu.memory_space<vmem>>
      %dma_wait3A_102 = tpu.memref_squeeze %dma_wait3A_101 : memref<1x128xi32, #tpu.memory_space<vmem>> -> memref<128xi32, #tpu.memory_space<vmem>>
      %dma_wait3A_103 = arith.constant 0 : i32
      %dma_wait3A_104 = arith.constant 0 : i32
      %dma_wait3A_105 = tpu.memref_slice %arg12[%dma_wait3A_103, %dma_wait3A_104] : memref<5120x128xf32, #tpu.memory_space<vmem_shared>> -> memref<5120x128xf32, #tpu.memory_space<vmem_shared>>
      tpu.wait_indirect_dma semaphore(%arg14 : memref<!tpu.dma_semaphore, #tpu.memory_space<semaphore_mem>>) src(%arg10 : memref<128x128xf32, #tpu.memory_space<vmem>>) dst(%dma_wait3A_105 : memref<5120x128xf32, #tpu.memory_space<vmem_shared>>)
      %while3A_106 = arith.constant 0 : i32
      scf.yield %while3A_106 : i32
    }
    %barrier3A_35 = arith.constant 0 : index
    tpu.barrier barrier_id(%barrier3A_35)
    %mul3A_36 = arith.constant 320 : i32
    %mul3A_37 = arith.muli %arg1, %mul3A_36 : i32
    %mul3A_38 = arith.constant 320 : i32
    %mul3A_39 = arith.muli %arg1, %mul3A_38 : i32
    %run_scoped3A_40 = arith.constant 0 : i32
    "tpu.region"() ({
      %run_scoped3A_82 = tpu.sem_alloc : memref<!tpu.dma_semaphore, #tpu.memory_space<semaphore_mem>>
      %dma_start3A = arith.constant 0 : i32
      %dma_start3A_83 = tpu.memref_slice %arg6[%run_scoped3A_40, %arg0, %mul3A_39, %dma_start3A] : memref<2x2x5120x128xf32, #tpu.memory_space<hbm>> -> memref<1x1x320x128xf32, #tpu.memory_space<hbm>>
      %dma_start3A_84 = tpu.memref_squeeze %dma_start3A_83 : memref<1x1x320x128xf32, #tpu.memory_space<hbm>> -> memref<320x128xf32, #tpu.memory_space<hbm>>
      %dma_start3A_85 = arith.constant 0 : i32
      %dma_start3A_86 = tpu.memref_slice %arg12[%mul3A_37, %dma_start3A_85] : memref<5120x128xf32, #tpu.memory_space<vmem_shared>> -> memref<320x128xf32, #tpu.memory_space<vmem_shared>>
      tpu.enqueue_dma source(%dma_start3A_86 : memref<320x128xf32, #tpu.memory_space<vmem_shared>>) target(%dma_start3A_84 : memref<320x128xf32, #tpu.memory_space<hbm>>) target_semaphore(%run_scoped3A_82 : memref<!tpu.dma_semaphore, #tpu.memory_space<semaphore_mem>>)
      %dma_wait3A = arith.constant 0 : i32
      %dma_wait3A_87 = tpu.memref_slice %arg6[%run_scoped3A_40, %arg0, %mul3A_39, %dma_wait3A] : memref<2x2x5120x128xf32, #tpu.memory_space<hbm>> -> memref<1x1x320x128xf32, #tpu.memory_space<hbm>>
      %dma_wait3A_88 = tpu.memref_squeeze %dma_wait3A_87 : memref<1x1x320x128xf32, #tpu.memory_space<hbm>> -> memref<320x128xf32, #tpu.memory_space<hbm>>
      %dma_wait3A_89 = arith.constant 0 : i32
      %dma_wait3A_90 = tpu.memref_slice %arg12[%mul3A_37, %dma_wait3A_89] : memref<5120x128xf32, #tpu.memory_space<vmem_shared>> -> memref<320x128xf32, #tpu.memory_space<vmem_shared>>
      tpu.wait_dma2 semaphore(%run_scoped3A_82 : memref<!tpu.dma_semaphore, #tpu.memory_space<semaphore_mem>>) src(%dma_wait3A_90 : memref<320x128xf32, #tpu.memory_space<vmem_shared>>) dst(%dma_wait3A_88 : memref<320x128xf32, #tpu.memory_space<hbm>>)
      tpu.yield
    }) : () -> ()
    %barrier3A_41 = arith.constant 0 : index
    tpu.barrier barrier_id(%barrier3A_41)
    %mul3A_42 = arith.constant 320 : i32
    %mul3A_43 = arith.muli %arg1, %mul3A_42 : i32
    %add3A_44 = arith.constant 0 : i32
    %add3A_45 = arith.addi %mul3A_43, %add3A_44 : i32
    "tpu.region"() ({
      %run_scoped3A_82 = tpu.sem_alloc : memref<!tpu.dma_semaphore, #tpu.memory_space<semaphore_mem>>
      %dma_start3A = arith.constant 0 : i32
      %dma_start3A_83 = arith.constant 0 : i32
      %dma_start3A_84 = tpu.memref_slice %arg11[%dma_start3A, %dma_start3A_83] : memref<128x128xf32, #tpu.memory_space<vmem>> -> memref<128x128xf32, #tpu.memory_space<vmem>>
      %dma_start3A_85 = arith.constant 0 : i32
      %dma_start3A_86 = tpu.memref_slice %arg12[%add3A_45, %dma_start3A_85] : memref<5120x128xf32, #tpu.memory_space<vmem_shared>> -> memref<128x128xf32, #tpu.memory_space<vmem_shared>>
      %dma_start3A_87 = arith.constant 0 : i32
      %dma_start3A_88 = tpu.memref_slice %arg12[%add3A_45, %dma_start3A_87] : memref<5120x128xf32, #tpu.memory_space<vmem_shared>> -> memref<128x128xf32, #tpu.memory_space<vmem_shared>>
      %dma_start3A_89 = arith.constant 0 : i32
      %dma_start3A_90 = arith.constant 0 : i32
      %dma_start3A_91 = tpu.memref_slice %arg11[%dma_start3A_89, %dma_start3A_90] : memref<128x128xf32, #tpu.memory_space<vmem>> -> memref<128x128xf32, #tpu.memory_space<vmem>>
      tpu.enqueue_dma source(%dma_start3A_91 : memref<128x128xf32, #tpu.memory_space<vmem>>) target(%dma_start3A_88 : memref<128x128xf32, #tpu.memory_space<vmem_shared>>) target_semaphore(%run_scoped3A_82 : memref<!tpu.dma_semaphore, #tpu.memory_space<semaphore_mem>>)
      %dma_wait3A = arith.constant 0 : i32
      %dma_wait3A_92 = arith.constant 0 : i32
      %dma_wait3A_93 = tpu.memref_slice %arg11[%dma_wait3A, %dma_wait3A_92] : memref<128x128xf32, #tpu.memory_space<vmem>> -> memref<128x128xf32, #tpu.memory_space<vmem>>
      %dma_wait3A_94 = arith.constant 0 : i32
      %dma_wait3A_95 = tpu.memref_slice %arg12[%add3A_45, %dma_wait3A_94] : memref<5120x128xf32, #tpu.memory_space<vmem_shared>> -> memref<128x128xf32, #tpu.memory_space<vmem_shared>>
      %dma_wait3A_96 = arith.constant 0 : i32
      %dma_wait3A_97 = tpu.memref_slice %arg12[%add3A_45, %dma_wait3A_96] : memref<5120x128xf32, #tpu.memory_space<vmem_shared>> -> memref<128x128xf32, #tpu.memory_space<vmem_shared>>
      %dma_wait3A_98 = arith.constant 0 : i32
      %dma_wait3A_99 = arith.constant 0 : i32
      %dma_wait3A_100 = tpu.memref_slice %arg11[%dma_wait3A_98, %dma_wait3A_99] : memref<128x128xf32, #tpu.memory_space<vmem>> -> memref<128x128xf32, #tpu.memory_space<vmem>>
      tpu.wait_dma2 semaphore(%run_scoped3A_82 : memref<!tpu.dma_semaphore, #tpu.memory_space<semaphore_mem>>) src(%dma_wait3A_100 : memref<128x128xf32, #tpu.memory_space<vmem>>) dst(%dma_wait3A_97 : memref<128x128xf32, #tpu.memory_space<vmem_shared>>)
      tpu.yield
    }) : () -> ()
    %mul3A_46 = arith.constant 320 : i32
    %mul3A_47 = arith.muli %arg1, %mul3A_46 : i32
    %add3A_48 = arith.constant 128 : i32
    %add3A_49 = arith.addi %mul3A_47, %add3A_48 : i32
    "tpu.region"() ({
      %run_scoped3A_82 = tpu.sem_alloc : memref<!tpu.dma_semaphore, #tpu.memory_space<semaphore_mem>>
      %dma_start3A = arith.constant 0 : i32
      %dma_start3A_83 = arith.constant 0 : i32
      %dma_start3A_84 = tpu.memref_slice %arg11[%dma_start3A, %dma_start3A_83] : memref<128x128xf32, #tpu.memory_space<vmem>> -> memref<128x128xf32, #tpu.memory_space<vmem>>
      %dma_start3A_85 = arith.constant 0 : i32
      %dma_start3A_86 = tpu.memref_slice %arg12[%add3A_49, %dma_start3A_85] : memref<5120x128xf32, #tpu.memory_space<vmem_shared>> -> memref<128x128xf32, #tpu.memory_space<vmem_shared>>
      %dma_start3A_87 = arith.constant 0 : i32
      %dma_start3A_88 = tpu.memref_slice %arg12[%add3A_49, %dma_start3A_87] : memref<5120x128xf32, #tpu.memory_space<vmem_shared>> -> memref<128x128xf32, #tpu.memory_space<vmem_shared>>
      %dma_start3A_89 = arith.constant 0 : i32
      %dma_start3A_90 = arith.constant 0 : i32
      %dma_start3A_91 = tpu.memref_slice %arg11[%dma_start3A_89, %dma_start3A_90] : memref<128x128xf32, #tpu.memory_space<vmem>> -> memref<128x128xf32, #tpu.memory_space<vmem>>
      tpu.enqueue_dma source(%dma_start3A_91 : memref<128x128xf32, #tpu.memory_space<vmem>>) target(%dma_start3A_88 : memref<128x128xf32, #tpu.memory_space<vmem_shared>>) target_semaphore(%run_scoped3A_82 : memref<!tpu.dma_semaphore, #tpu.memory_space<semaphore_mem>>)
      %dma_wait3A = arith.constant 0 : i32
      %dma_wait3A_92 = arith.constant 0 : i32
      %dma_wait3A_93 = tpu.memref_slice %arg11[%dma_wait3A, %dma_wait3A_92] : memref<128x128xf32, #tpu.memory_space<vmem>> -> memref<128x128xf32, #tpu.memory_space<vmem>>
      %dma_wait3A_94 = arith.constant 0 : i32
      %dma_wait3A_95 = tpu.memref_slice %arg12[%add3A_49, %dma_wait3A_94] : memref<5120x128xf32, #tpu.memory_space<vmem_shared>> -> memref<128x128xf32, #tpu.memory_space<vmem_shared>>
      %dma_wait3A_96 = arith.constant 0 : i32
      %dma_wait3A_97 = tpu.memref_slice %arg12[%add3A_49, %dma_wait3A_96] : memref<5120x128xf32, #tpu.memory_space<vmem_shared>> -> memref<128x128xf32, #tpu.memory_space<vmem_shared>>
      %dma_wait3A_98 = arith.constant 0 : i32
      %dma_wait3A_99 = arith.constant 0 : i32
      %dma_wait3A_100 = tpu.memref_slice %arg11[%dma_wait3A_98, %dma_wait3A_99] : memref<128x128xf32, #tpu.memory_space<vmem>> -> memref<128x128xf32, #tpu.memory_space<vmem>>
      tpu.wait_dma2 semaphore(%run_scoped3A_82 : memref<!tpu.dma_semaphore, #tpu.memory_space<semaphore_mem>>) src(%dma_wait3A_100 : memref<128x128xf32, #tpu.memory_space<vmem>>) dst(%dma_wait3A_97 : memref<128x128xf32, #tpu.memory_space<vmem_shared>>)
      tpu.yield
    }) : () -> ()
    %mul3A_50 = arith.constant 320 : i32
    %mul3A_51 = arith.muli %arg1, %mul3A_50 : i32
    %add3A_52 = arith.constant 256 : i32
    %add3A_53 = arith.addi %mul3A_51, %add3A_52 : i32
    "tpu.region"() ({
      %run_scoped3A_82 = tpu.sem_alloc : memref<!tpu.dma_semaphore, #tpu.memory_space<semaphore_mem>>
      %dma_start3A = arith.constant 0 : i32
      %dma_start3A_83 = arith.constant 0 : i32
      %dma_start3A_84 = tpu.memref_slice %arg11[%dma_start3A, %dma_start3A_83] : memref<128x128xf32, #tpu.memory_space<vmem>> -> memref<64x128xf32, #tpu.memory_space<vmem>>
      %dma_start3A_85 = arith.constant 0 : i32
      %dma_start3A_86 = tpu.memref_slice %arg12[%add3A_53, %dma_start3A_85] : memref<5120x128xf32, #tpu.memory_space<vmem_shared>> -> memref<64x128xf32, #tpu.memory_space<vmem_shared>>
      %dma_start3A_87 = arith.constant 0 : i32
      %dma_start3A_88 = tpu.memref_slice %arg12[%add3A_53, %dma_start3A_87] : memref<5120x128xf32, #tpu.memory_space<vmem_shared>> -> memref<64x128xf32, #tpu.memory_space<vmem_shared>>
      %dma_start3A_89 = arith.constant 0 : i32
      %dma_start3A_90 = arith.constant 0 : i32
      %dma_start3A_91 = tpu.memref_slice %arg11[%dma_start3A_89, %dma_start3A_90] : memref<128x128xf32, #tpu.memory_space<vmem>> -> memref<64x128xf32, #tpu.memory_space<vmem>>
      tpu.enqueue_dma source(%dma_start3A_91 : memref<64x128xf32, #tpu.memory_space<vmem>>) target(%dma_start3A_88 : memref<64x128xf32, #tpu.memory_space<vmem_shared>>) target_semaphore(%run_scoped3A_82 : memref<!tpu.dma_semaphore, #tpu.memory_space<semaphore_mem>>)
      %dma_wait3A = arith.constant 0 : i32
      %dma_wait3A_92 = arith.constant 0 : i32
      %dma_wait3A_93 = tpu.memref_slice %arg11[%dma_wait3A, %dma_wait3A_92] : memref<128x128xf32, #tpu.memory_space<vmem>> -> memref<64x128xf32, #tpu.memory_space<vmem>>
      %dma_wait3A_94 = arith.constant 0 : i32
      %dma_wait3A_95 = tpu.memref_slice %arg12[%add3A_53, %dma_wait3A_94] : memref<5120x128xf32, #tpu.memory_space<vmem_shared>> -> memref<64x128xf32, #tpu.memory_space<vmem_shared>>
      %dma_wait3A_96 = arith.constant 0 : i32
      %dma_wait3A_97 = tpu.memref_slice %arg12[%add3A_53, %dma_wait3A_96] : memref<5120x128xf32, #tpu.memory_space<vmem_shared>> -> memref<64x128xf32, #tpu.memory_space<vmem_shared>>
      %dma_wait3A_98 = arith.constant 0 : i32
      %dma_wait3A_99 = arith.constant 0 : i32
      %dma_wait3A_100 = tpu.memref_slice %arg11[%dma_wait3A_98, %dma_wait3A_99] : memref<128x128xf32, #tpu.memory_space<vmem>> -> memref<64x128xf32, #tpu.memory_space<vmem>>
      tpu.wait_dma2 semaphore(%run_scoped3A_82 : memref<!tpu.dma_semaphore, #tpu.memory_space<semaphore_mem>>) src(%dma_wait3A_100 : memref<64x128xf32, #tpu.memory_space<vmem>>) dst(%dma_wait3A_97 : memref<64x128xf32, #tpu.memory_space<vmem_shared>>)
      tpu.yield
    }) : () -> ()
    %run_scoped3A_54 = arith.constant 1 : i32
    "tpu.region"() ({
      %run_scoped3A_82 = tpu.sem_alloc : memref<!tpu.dma_semaphore, #tpu.memory_space<semaphore_mem>>
      %dma_start3A = arith.constant 0 : i32
      %dma_start3A_83 = arith.constant 0 : i32
      %dma_start3A_84 = tpu.memref_slice %arg3[%run_scoped3A_54, %add3A, %dma_start3A, %dma_start3A_83] : memref<2x32x80x128xi32, #tpu.memory_space<hbm>> -> memref<1x1x80x128xi32, #tpu.memory_space<hbm>>
      %dma_start3A_85 = tpu.memref_squeeze %dma_start3A_84 : memref<1x1x80x128xi32, #tpu.memory_space<hbm>> -> memref<80x128xi32, #tpu.memory_space<hbm>>
      %dma_start3A_86 = arith.constant 0 : i32
      %dma_start3A_87 = arith.constant 0 : i32
      %dma_start3A_88 = tpu.memref_slice %arg3[%run_scoped3A_54, %add3A, %dma_start3A_86, %dma_start3A_87] : memref<2x32x80x128xi32, #tpu.memory_space<hbm>> -> memref<1x1x80x128xi32, #tpu.memory_space<hbm>>
      %dma_start3A_89 = tpu.memref_squeeze %dma_start3A_88 : memref<1x1x80x128xi32, #tpu.memory_space<hbm>> -> memref<80x128xi32, #tpu.memory_space<hbm>>
      tpu.enqueue_dma source(%dma_start3A_89 : memref<80x128xi32, #tpu.memory_space<hbm>>) target(%arg7 : memref<80x128xi32, #tpu.memory_space<vmem>>) target_semaphore(%run_scoped3A_82 : memref<!tpu.dma_semaphore, #tpu.memory_space<semaphore_mem>>)
      %dma_wait3A = arith.constant 0 : i32
      %dma_wait3A_90 = arith.constant 0 : i32
      %dma_wait3A_91 = tpu.memref_slice %arg3[%run_scoped3A_54, %add3A, %dma_wait3A, %dma_wait3A_90] : memref<2x32x80x128xi32, #tpu.memory_space<hbm>> -> memref<1x1x80x128xi32, #tpu.memory_space<hbm>>
      %dma_wait3A_92 = tpu.memref_squeeze %dma_wait3A_91 : memref<1x1x80x128xi32, #tpu.memory_space<hbm>> -> memref<80x128xi32, #tpu.memory_space<hbm>>
      %dma_wait3A_93 = arith.constant 0 : i32
      %dma_wait3A_94 = arith.constant 0 : i32
      %dma_wait3A_95 = tpu.memref_slice %arg3[%run_scoped3A_54, %add3A, %dma_wait3A_93, %dma_wait3A_94] : memref<2x32x80x128xi32, #tpu.memory_space<hbm>> -> memref<1x1x80x128xi32, #tpu.memory_space<hbm>>
      %dma_wait3A_96 = tpu.memref_squeeze %dma_wait3A_95 : memref<1x1x80x128xi32, #tpu.memory_space<hbm>> -> memref<80x128xi32, #tpu.memory_space<hbm>>
      tpu.wait_dma2 semaphore(%run_scoped3A_82 : memref<!tpu.dma_semaphore, #tpu.memory_space<semaphore_mem>>) src(%dma_wait3A_96 : memref<80x128xi32, #tpu.memory_space<hbm>>) dst(%arg7 : memref<80x128xi32, #tpu.memory_space<vmem>>)
      tpu.yield
    }) : () -> ()
    %run_scoped3A_55 = arith.constant 1 : i32
    "tpu.region"() ({
      %run_scoped3A_82 = tpu.sem_alloc : memref<!tpu.dma_semaphore, #tpu.memory_space<semaphore_mem>>
      %dma_start3A = arith.constant 0 : i32
      %dma_start3A_83 = arith.constant 0 : i32
      %dma_start3A_84 = tpu.memref_slice %arg4[%run_scoped3A_55, %add3A, %dma_start3A, %dma_start3A_83] : memref<2x32x80x128xi32, #tpu.memory_space<hbm>> -> memref<1x1x80x128xi32, #tpu.memory_space<hbm>>
      %dma_start3A_85 = tpu.memref_squeeze %dma_start3A_84 : memref<1x1x80x128xi32, #tpu.memory_space<hbm>> -> memref<80x128xi32, #tpu.memory_space<hbm>>
      %dma_start3A_86 = arith.constant 0 : i32
      %dma_start3A_87 = arith.constant 0 : i32
      %dma_start3A_88 = tpu.memref_slice %arg4[%run_scoped3A_55, %add3A, %dma_start3A_86, %dma_start3A_87] : memref<2x32x80x128xi32, #tpu.memory_space<hbm>> -> memref<1x1x80x128xi32, #tpu.memory_space<hbm>>
      %dma_start3A_89 = tpu.memref_squeeze %dma_start3A_88 : memref<1x1x80x128xi32, #tpu.memory_space<hbm>> -> memref<80x128xi32, #tpu.memory_space<hbm>>
      tpu.enqueue_dma source(%dma_start3A_89 : memref<80x128xi32, #tpu.memory_space<hbm>>) target(%arg8 : memref<80x128xi32, #tpu.memory_space<vmem>>) target_semaphore(%run_scoped3A_82 : memref<!tpu.dma_semaphore, #tpu.memory_space<semaphore_mem>>)
      %dma_wait3A = arith.constant 0 : i32
      %dma_wait3A_90 = arith.constant 0 : i32
      %dma_wait3A_91 = tpu.memref_slice %arg4[%run_scoped3A_55, %add3A, %dma_wait3A, %dma_wait3A_90] : memref<2x32x80x128xi32, #tpu.memory_space<hbm>> -> memref<1x1x80x128xi32, #tpu.memory_space<hbm>>
      %dma_wait3A_92 = tpu.memref_squeeze %dma_wait3A_91 : memref<1x1x80x128xi32, #tpu.memory_space<hbm>> -> memref<80x128xi32, #tpu.memory_space<hbm>>
      %dma_wait3A_93 = arith.constant 0 : i32
      %dma_wait3A_94 = arith.constant 0 : i32
      %dma_wait3A_95 = tpu.memref_slice %arg4[%run_scoped3A_55, %add3A, %dma_wait3A_93, %dma_wait3A_94] : memref<2x32x80x128xi32, #tpu.memory_space<hbm>> -> memref<1x1x80x128xi32, #tpu.memory_space<hbm>>
      %dma_wait3A_96 = tpu.memref_squeeze %dma_wait3A_95 : memref<1x1x80x128xi32, #tpu.memory_space<hbm>> -> memref<80x128xi32, #tpu.memory_space<hbm>>
      tpu.wait_dma2 semaphore(%run_scoped3A_82 : memref<!tpu.dma_semaphore, #tpu.memory_space<semaphore_mem>>) src(%dma_wait3A_96 : memref<80x128xi32, #tpu.memory_space<hbm>>) dst(%arg8 : memref<80x128xi32, #tpu.memory_space<vmem>>)
      tpu.yield
    }) : () -> ()
    %run_scoped3A_56 = arith.constant 1 : i32
    "tpu.region"() ({
      %run_scoped3A_82 = tpu.sem_alloc : memref<!tpu.dma_semaphore, #tpu.memory_space<semaphore_mem>>
      %dma_start3A = arith.constant 0 : i32
      %dma_start3A_83 = tpu.memref_slice %arg5[%run_scoped3A_56, %add3A, %dma_start3A] : memref<2x32x128xi32, #tpu.memory_space<hbm>> -> memref<1x1x128xi32, #tpu.memory_space<hbm>>
      %dma_start3A_84 = tpu.memref_squeeze %dma_start3A_83 : memref<1x1x128xi32, #tpu.memory_space<hbm>> -> memref<128xi32, #tpu.memory_space<hbm>>
      %dma_start3A_85 = arith.constant 0 : i32
      %dma_start3A_86 = tpu.memref_slice %arg5[%run_scoped3A_56, %add3A, %dma_start3A_85] : memref<2x32x128xi32, #tpu.memory_space<hbm>> -> memref<1x1x128xi32, #tpu.memory_space<hbm>>
      %dma_start3A_87 = tpu.memref_squeeze %dma_start3A_86 : memref<1x1x128xi32, #tpu.memory_space<hbm>> -> memref<128xi32, #tpu.memory_space<hbm>>
      tpu.enqueue_dma source(%dma_start3A_87 : memref<128xi32, #tpu.memory_space<hbm>>) target(%arg9 : memref<128xi32, #tpu.memory_space<vmem>>) target_semaphore(%run_scoped3A_82 : memref<!tpu.dma_semaphore, #tpu.memory_space<semaphore_mem>>)
      %dma_wait3A = arith.constant 0 : i32
      %dma_wait3A_88 = tpu.memref_slice %arg5[%run_scoped3A_56, %add3A, %dma_wait3A] : memref<2x32x128xi32, #tpu.memory_space<hbm>> -> memref<1x1x128xi32, #tpu.memory_space<hbm>>
      %dma_wait3A_89 = tpu.memref_squeeze %dma_wait3A_88 : memref<1x1x128xi32, #tpu.memory_space<hbm>> -> memref<128xi32, #tpu.memory_space<hbm>>
      %dma_wait3A_90 = arith.constant 0 : i32
      %dma_wait3A_91 = tpu.memref_slice %arg5[%run_scoped3A_56, %add3A, %dma_wait3A_90] : memref<2x32x128xi32, #tpu.memory_space<hbm>> -> memref<1x1x128xi32, #tpu.memory_space<hbm>>
      %dma_wait3A_92 = tpu.memref_squeeze %dma_wait3A_91 : memref<1x1x128xi32, #tpu.memory_space<hbm>> -> memref<128xi32, #tpu.memory_space<hbm>>
      tpu.wait_dma2 semaphore(%run_scoped3A_82 : memref<!tpu.dma_semaphore, #tpu.memory_space<semaphore_mem>>) src(%dma_wait3A_92 : memref<128xi32, #tpu.memory_space<hbm>>) dst(%arg9 : memref<128xi32, #tpu.memory_space<vmem>>)
      tpu.yield
    }) : () -> ()
    %get3A_57 = arith.constant 0 : index
    %get3A_58 = tpu.vector_load %arg9[%get3A_57] {strides = array<i32>} : memref<128xi32, #tpu.memory_space<vmem>>, vector<16xi32>,
    %get3A_59 = vector.shape_cast %get3A_58 : vector<16xi32> to vector<16xi32>
    %slice3A_60 = vector.extract_strided_slice %get3A_59 {offsets = [0], sizes = [1], strides = [1]} : vector<16xi32> to vector<1xi32>
    %squeeze3A_61 = vector.extract %slice3A_60[0] : i32 from vector<1xi32>
    %barrier3A_62 = arith.constant 0 : index
    tpu.barrier barrier_id(%barrier3A_62)
    %while3A_63 = arith.constant 0 : i32
    %while3A_64 = arith.constant 0 : i32
    %while3A_65 = arith.subi %squeeze3A_61, %while3A_63 : i32
    %while3A_66 = arith.addi %while3A_63, %while3A_65 : i32
    %while3A_67 = arith.constant 1 : i32
    %while3A_68 = arith.divsi %while3A_65, %while3A_67 : i32
    %while3A_69 = arith.muli %while3A_68, %while3A_67 : i32
    %while3A_70 = arith.addi %while3A_63, %while3A_69 : i32
    %while3A_71 = arith.constant 1 : i32
    %while3A_72 = scf.for %while3A_82 = %while3A_63 to %while3A_70 step %while3A_71 iter_args(%while3A_83 = %while3A_64) -> (i32)  : i32 {
      %dma_start3A = arith.constant 0 : i32
      %dma_start3A_84 = tpu.memref_slice %arg7[%while3A_82, %dma_start3A] : memref<80x128xi32, #tpu.memory_space<vmem>> -> memref<1x128xi32, #tpu.memory_space<vmem>>
      %dma_start3A_85 = tpu.memref_squeeze %dma_start3A_84 : memref<1x128xi32, #tpu.memory_space<vmem>> -> memref<128xi32, #tpu.memory_space<vmem>>
      %dma_start3A_86 = arith.constant 0 : i32
      %dma_start3A_87 = arith.constant 0 : i32
      %dma_start3A_88 = tpu.memref_slice %arg2[%dma_start3A_86, %dma_start3A_87] : memref<10000x128xf32, #tpu.memory_space<hbm>> -> memref<10000x128xf32, #tpu.memory_space<hbm>>
      tpu.enqueue_indirect_dma source(%dma_start3A_88 : memref<10000x128xf32, #tpu.memory_space<hbm>>) target(%arg10 : memref<128x128xf32, #tpu.memory_space<vmem>>) offsets(%dma_start3A_85 : memref<128xi32, #tpu.memory_space<vmem>>) semaphore(%arg13 : memref<!tpu.dma_semaphore, #tpu.memory_space<semaphore_mem>>)
      %dma_wait3A = arith.constant 0 : i32
      %dma_wait3A_89 = tpu.memref_slice %arg7[%while3A_82, %dma_wait3A] : memref<80x128xi32, #tpu.memory_space<vmem>> -> memref<1x128xi32, #tpu.memory_space<vmem>>
      %dma_wait3A_90 = tpu.memref_squeeze %dma_wait3A_89 : memref<1x128xi32, #tpu.memory_space<vmem>> -> memref<128xi32, #tpu.memory_space<vmem>>
      %dma_wait3A_91 = arith.constant 0 : i32
      %dma_wait3A_92 = arith.constant 0 : i32
      %dma_wait3A_93 = tpu.memref_slice %arg2[%dma_wait3A_91, %dma_wait3A_92] : memref<10000x128xf32, #tpu.memory_space<hbm>> -> memref<10000x128xf32, #tpu.memory_space<hbm>>
      tpu.wait_indirect_dma semaphore(%arg13 : memref<!tpu.dma_semaphore, #tpu.memory_space<semaphore_mem>>) src(%dma_wait3A_93 : memref<10000x128xf32, #tpu.memory_space<hbm>>) dst(%arg10 : memref<128x128xf32, #tpu.memory_space<vmem>>)
      %dma_start3A_94 = arith.constant 0 : i32
      %dma_start3A_95 = tpu.memref_slice %arg8[%while3A_82, %dma_start3A_94] : memref<80x128xi32, #tpu.memory_space<vmem>> -> memref<1x128xi32, #tpu.memory_space<vmem>>
      %dma_start3A_96 = tpu.memref_squeeze %dma_start3A_95 : memref<1x128xi32, #tpu.memory_space<vmem>> -> memref<128xi32, #tpu.memory_space<vmem>>
      %dma_start3A_97 = arith.constant 0 : i32
      %dma_start3A_98 = arith.constant 0 : i32
      %dma_start3A_99 = tpu.memref_slice %arg12[%dma_start3A_97, %dma_start3A_98] : memref<5120x128xf32, #tpu.memory_space<vmem_shared>> -> memref<5120x128xf32, #tpu.memory_space<vmem_shared>>
      tpu.enqueue_indirect_dma source(%arg10 : memref<128x128xf32, #tpu.memory_space<vmem>>) target(%dma_start3A_99 : memref<5120x128xf32, #tpu.memory_space<vmem_shared>>) offsets(%dma_start3A_96 : memref<128xi32, #tpu.memory_space<vmem>>) semaphore(%arg14 : memref<!tpu.dma_semaphore, #tpu.memory_space<semaphore_mem>>) {add = true}
      %dma_wait3A_100 = arith.constant 0 : i32
      %dma_wait3A_101 = tpu.memref_slice %arg8[%while3A_82, %dma_wait3A_100] : memref<80x128xi32, #tpu.memory_space<vmem>> -> memref<1x128xi32, #tpu.memory_space<vmem>>
      %dma_wait3A_102 = tpu.memref_squeeze %dma_wait3A_101 : memref<1x128xi32, #tpu.memory_space<vmem>> -> memref<128xi32, #tpu.memory_space<vmem>>
      %dma_wait3A_103 = arith.constant 0 : i32
      %dma_wait3A_104 = arith.constant 0 : i32
      %dma_wait3A_105 = tpu.memref_slice %arg12[%dma_wait3A_103, %dma_wait3A_104] : memref<5120x128xf32, #tpu.memory_space<vmem_shared>> -> memref<5120x128xf32, #tpu.memory_space<vmem_shared>>
      tpu.wait_indirect_dma semaphore(%arg14 : memref<!tpu.dma_semaphore, #tpu.memory_space<semaphore_mem>>) src(%arg10 : memref<128x128xf32, #tpu.memory_space<vmem>>) dst(%dma_wait3A_105 : memref<5120x128xf32, #tpu.memory_space<vmem_shared>>)
      %while3A_106 = arith.constant 0 : i32
      scf.yield %while3A_106 : i32
    }
    %while3A_73 = arith.constant 1 : i32
    %while3A_74 = scf.for %while3A_82 = %while3A_70 to %while3A_66 step %while3A_73 iter_args(%while3A_83 = %while3A_72) -> (i32)  : i32 {
      %dma_start3A = arith.constant 0 : i32
      %dma_start3A_84 = tpu.memref_slice %arg7[%while3A_82, %dma_start3A] : memref<80x128xi32, #tpu.memory_space<vmem>> -> memref<1x128xi32, #tpu.memory_space<vmem>>
      %dma_start3A_85 = tpu.memref_squeeze %dma_start3A_84 : memref<1x128xi32, #tpu.memory_space<vmem>> -> memref<128xi32, #tpu.memory_space<vmem>>
      %dma_start3A_86 = arith.constant 0 : i32
      %dma_start3A_87 = arith.constant 0 : i32
      %dma_start3A_88 = tpu.memref_slice %arg2[%dma_start3A_86, %dma_start3A_87] : memref<10000x128xf32, #tpu.memory_space<hbm>> -> memref<10000x128xf32, #tpu.memory_space<hbm>>
      tpu.enqueue_indirect_dma source(%dma_start3A_88 : memref<10000x128xf32, #tpu.memory_space<hbm>>) target(%arg10 : memref<128x128xf32, #tpu.memory_space<vmem>>) offsets(%dma_start3A_85 : memref<128xi32, #tpu.memory_space<vmem>>) semaphore(%arg13 : memref<!tpu.dma_semaphore, #tpu.memory_space<semaphore_mem>>)
      %dma_wait3A = arith.constant 0 : i32
      %dma_wait3A_89 = tpu.memref_slice %arg7[%while3A_82, %dma_wait3A] : memref<80x128xi32, #tpu.memory_space<vmem>> -> memref<1x128xi32, #tpu.memory_space<vmem>>
      %dma_wait3A_90 = tpu.memref_squeeze %dma_wait3A_89 : memref<1x128xi32, #tpu.memory_space<vmem>> -> memref<128xi32, #tpu.memory_space<vmem>>
      %dma_wait3A_91 = arith.constant 0 : i32
      %dma_wait3A_92 = arith.constant 0 : i32
      %dma_wait3A_93 = tpu.memref_slice %arg2[%dma_wait3A_91, %dma_wait3A_92] : memref<10000x128xf32, #tpu.memory_space<hbm>> -> memref<10000x128xf32, #tpu.memory_space<hbm>>
      tpu.wait_indirect_dma semaphore(%arg13 : memref<!tpu.dma_semaphore, #tpu.memory_space<semaphore_mem>>) src(%dma_wait3A_93 : memref<10000x128xf32, #tpu.memory_space<hbm>>) dst(%arg10 : memref<128x128xf32, #tpu.memory_space<vmem>>)
      %dma_start3A_94 = arith.constant 0 : i32
      %dma_start3A_95 = tpu.memref_slice %arg8[%while3A_82, %dma_start3A_94] : memref<80x128xi32, #tpu.memory_space<vmem>> -> memref<1x128xi32, #tpu.memory_space<vmem>>
      %dma_start3A_96 = tpu.memref_squeeze %dma_start3A_95 : memref<1x128xi32, #tpu.memory_space<vmem>> -> memref<128xi32, #tpu.memory_space<vmem>>
      %dma_start3A_97 = arith.constant 0 : i32
      %dma_start3A_98 = arith.constant 0 : i32
      %dma_start3A_99 = tpu.memref_slice %arg12[%dma_start3A_97, %dma_start3A_98] : memref<5120x128xf32, #tpu.memory_space<vmem_shared>> -> memref<5120x128xf32, #tpu.memory_space<vmem_shared>>
      tpu.enqueue_indirect_dma source(%arg10 : memref<128x128xf32, #tpu.memory_space<vmem>>) target(%dma_start3A_99 : memref<5120x128xf32, #tpu.memory_space<vmem_shared>>) offsets(%dma_start3A_96 : memref<128xi32, #tpu.memory_space<vmem>>) semaphore(%arg14 : memref<!tpu.dma_semaphore, #tpu.memory_space<semaphore_mem>>) {add = true}
      %dma_wait3A_100 = arith.constant 0 : i32
      %dma_wait3A_101 = tpu.memref_slice %arg8[%while3A_82, %dma_wait3A_100] : memref<80x128xi32, #tpu.memory_space<vmem>> -> memref<1x128xi32, #tpu.memory_space<vmem>>
      %dma_wait3A_102 = tpu.memref_squeeze %dma_wait3A_101 : memref<1x128xi32, #tpu.memory_space<vmem>> -> memref<128xi32, #tpu.memory_space<vmem>>
      %dma_wait3A_103 = arith.constant 0 : i32
      %dma_wait3A_104 = arith.constant 0 : i32
      %dma_wait3A_105 = tpu.memref_slice %arg12[%dma_wait3A_103, %dma_wait3A_104] : memref<5120x128xf32, #tpu.memory_space<vmem_shared>> -> memref<5120x128xf32, #tpu.memory_space<vmem_shared>>
      tpu.wait_indirect_dma semaphore(%arg14 : memref<!tpu.dma_semaphore, #tpu.memory_space<semaphore_mem>>) src(%arg10 : memref<128x128xf32, #tpu.memory_space<vmem>>) dst(%dma_wait3A_105 : memref<5120x128xf32, #tpu.memory_space<vmem_shared>>)
      %while3A_106 = arith.constant 0 : i32
      scf.yield %while3A_106 : i32
    }
    %barrier3A_75 = arith.constant 0 : index
    tpu.barrier barrier_id(%barrier3A_75)
    %mul3A_76 = arith.constant 320 : i32
    %mul3A_77 = arith.muli %arg1, %mul3A_76 : i32
    %mul3A_78 = arith.constant 320 : i32
    %mul3A_79 = arith.muli %arg1, %mul3A_78 : i32
    %run_scoped3A_80 = arith.constant 1 : i32
    "tpu.region"() ({
      %run_scoped3A_82 = tpu.sem_alloc : memref<!tpu.dma_semaphore, #tpu.memory_space<semaphore_mem>>
      %dma_start3A = arith.constant 0 : i32
      %dma_start3A_83 = tpu.memref_slice %arg6[%run_scoped3A_80, %arg0, %mul3A_79, %dma_start3A] : memref<2x2x5120x128xf32, #tpu.memory_space<hbm>> -> memref<1x1x320x128xf32, #tpu.memory_space<hbm>>
      %dma_start3A_84 = tpu.memref_squeeze %dma_start3A_83 : memref<1x1x320x128xf32, #tpu.memory_space<hbm>> -> memref<320x128xf32, #tpu.memory_space<hbm>>
      %dma_start3A_85 = arith.constant 0 : i32
      %dma_start3A_86 = tpu.memref_slice %arg12[%mul3A_77, %dma_start3A_85] : memref<5120x128xf32, #tpu.memory_space<vmem_shared>> -> memref<320x128xf32, #tpu.memory_space<vmem_shared>>
      tpu.enqueue_dma source(%dma_start3A_86 : memref<320x128xf32, #tpu.memory_space<vmem_shared>>) target(%dma_start3A_84 : memref<320x128xf32, #tpu.memory_space<hbm>>) target_semaphore(%run_scoped3A_82 : memref<!tpu.dma_semaphore, #tpu.memory_space<semaphore_mem>>)
      %dma_wait3A = arith.constant 0 : i32
      %dma_wait3A_87 = tpu.memref_slice %arg6[%run_scoped3A_80, %arg0, %mul3A_79, %dma_wait3A] : memref<2x2x5120x128xf32, #tpu.memory_space<hbm>> -> memref<1x1x320x128xf32, #tpu.memory_space<hbm>>
      %dma_wait3A_88 = tpu.memref_squeeze %dma_wait3A_87 : memref<1x1x320x128xf32, #tpu.memory_space<hbm>> -> memref<320x128xf32, #tpu.memory_space<hbm>>
      %dma_wait3A_89 = arith.constant 0 : i32
      %dma_wait3A_90 = tpu.memref_slice %arg12[%mul3A_77, %dma_wait3A_89] : memref<5120x128xf32, #tpu.memory_space<vmem_shared>> -> memref<320x128xf32, #tpu.memory_space<vmem_shared>>
      tpu.wait_dma2 semaphore(%run_scoped3A_82 : memref<!tpu.dma_semaphore, #tpu.memory_space<semaphore_mem>>) src(%dma_wait3A_90 : memref<320x128xf32, #tpu.memory_space<vmem_shared>>) dst(%dma_wait3A_88 : memref<320x128xf32, #tpu.memory_space<hbm>>)
      tpu.yield
    }) : () -> ()
    %barrier3A_81 = arith.constant 0 : index
    tpu.barrier barrier_id(%barrier3A_81)
    return
  }
}

module attributes {stable_mosaic.version = 14 : i64} {
  func.func @_tc_layer_body(%arg0: i32, %arg1: memref<1x2x1000x128xf32, #tpu.memory_space<vmem>>, %arg2: memref<1000x128xf32, #tpu.memory_space<vmem>>, %arg3: memref<1000x128xf32, #tpu.memory_space<vmem>>, %arg4: memref<1000x128xf32, #tpu.memory_space<vmem>>, %arg5: memref<1000x128xf32, #tpu.memory_space<vmem>>, %arg6: memref<128x128xf32, #tpu.memory_space<vmem>>, %arg7: memref<1x128xf32, #tpu.memory_space<vmem>>, %arg8: memref<1x128xf32, #tpu.memory_space<vmem>>, %arg9: memref<1x128xf32, #tpu.memory_space<vmem>>, %arg10: memref<1x128xf32, #tpu.memory_space<vmem>>, %arg11: memref<1x128xf32, #tpu.memory_space<vmem>>, %arg12: memref<1000x128xf32, #tpu.memory_space<vmem>>, %arg13: memref<1000x128xf32, #tpu.memory_space<vmem>>, %arg14: memref<1000x128xf32, #tpu.memory_space<vmem>>) attributes {dimension_semantics = [#tpu.dimension_semantics<arbitrary>], iteration_bounds = array<i64: 10>, scalar_prefetch = 0 : i64, scratch_operands = 0 : i64, tpu.core_type = #tpu.core_type<tc>, window_params = [{transform_indices = @transform_0, window_bounds = array<i64: 1, 2, 1000, 128>}, {transform_indices = @transform_1, window_bounds = array<i64: 1000, 128>}, {transform_indices = @transform_2, window_bounds = array<i64: 1000, 128>}, {transform_indices = @transform_3, window_bounds = array<i64: 1000, 128>}, {transform_indices = @transform_4, window_bounds = array<i64: 1000, 128>}, {pipeline_mode = #tpu.pipeline_mode<synchronous>, transform_indices = @transform_5, window_bounds = array<i64: 128, 128>}, {pipeline_mode = #tpu.pipeline_mode<synchronous>, transform_indices = @transform_6, window_bounds = array<i64: 1, 128>}, {pipeline_mode = #tpu.pipeline_mode<synchronous>, transform_indices = @transform_7, window_bounds = array<i64: 1, 128>}, {pipeline_mode = #tpu.pipeline_mode<synchronous>, transform_indices = @transform_8, window_bounds = array<i64: 1, 128>}, {pipeline_mode = #tpu.pipeline_mode<synchronous>, transform_indices = @transform_9, window_bounds = array<i64: 1, 128>}, {pipeline_mode = #tpu.pipeline_mode<synchronous>, transform_indices = @transform_10, window_bounds = array<i64: 1, 128>}, {transform_indices = @transform_11, window_bounds = array<i64: 1000, 128>}, {transform_indices = @transform_12, window_bounds = array<i64: 1000, 128>}, {transform_indices = @transform_13, window_bounds = array<i64: 1000, 128>}]} {
    %get3A = arith.constant 0 : index
    %get3A_0 = arith.constant 0 : index
    %get3A_1 = arith.constant 0 : index
    %get3A_2 = arith.constant 0 : index
    %get3A_3 = vector.load %arg1[%get3A, %get3A_0, %get3A_1, %get3A_2] : memref<1x2x1000x128xf32, #tpu.memory_space<vmem>>, vector<1x1x1000x128xf32>
    %get3A_4 = vector.shape_cast %get3A_3 : vector<1x1x1000x128xf32> to vector<1000x128xf32>
    %get3A_5 = arith.constant 0 : index
    %get3A_6 = arith.constant 1 : index
    %get3A_7 = arith.constant 0 : index
    %get3A_8 = arith.constant 0 : index
    %get3A_9 = vector.load %arg1[%get3A_5, %get3A_6, %get3A_7, %get3A_8] : memref<1x2x1000x128xf32, #tpu.memory_space<vmem>>, vector<1x1x1000x128xf32>
    %get3A_10 = vector.shape_cast %get3A_9 : vector<1x1x1000x128xf32> to vector<1000x128xf32>
    %add3A = arith.addf %get3A_4, %get3A_10 : vector<1000x128xf32>
    %add3A_11 = arith.constant 1.000000e+00 : f32
    %add3A_12 = vector.broadcast %add3A_11 : f32 to vector<1000x128xf32>
    %add3A_13 = arith.addf %add3A, %add3A_12 : vector<1000x128xf32>
    %rsqrt3A = math.rsqrt %add3A_13 : vector<1000x128xf32>
    %get3A_14 = arith.constant 0 : index
    %get3A_15 = arith.constant 0 : index
    %get3A_16 = vector.load %arg3[%get3A_14, %get3A_15] : memref<1000x128xf32, #tpu.memory_space<vmem>>, vector<1000x128xf32>
    %get3A_17 = arith.constant 0 : index
    %get3A_18 = arith.constant 0 : index
    %get3A_19 = vector.load %arg2[%get3A_17, %get3A_18] : memref<1000x128xf32, #tpu.memory_space<vmem>>, vector<1000x128xf32>
    %add3A_20 = arith.addf %add3A, %get3A_19 : vector<1000x128xf32>
    %mul3A = arith.mulf %get3A_16, %add3A_20 : vector<1000x128xf32>
    %get3A_21 = arith.constant 0 : index
    %get3A_22 = arith.constant 0 : index
    %get3A_23 = vector.load %arg6[%get3A_21, %get3A_22] : memref<128x128xf32, #tpu.memory_space<vmem>>, vector<128x128xf32>
    %dot_general3A = arith.constant dense<0.000000e+00> : vector<1000x128xf32>
    %dot_general3A_24 = tpu.matmul %mul3A, %get3A_23, %dot_general3A {dimension_numbers = #tpu.dot_dimension_numbers<[1], [1], [0], [0], [0, 0, 1, 0], [], []>, transpose_lhs_hint = false} : vector<1000x128xf32>, vector<128x128xf32>, vector<1000x128xf32> -> vector<1000x128xf32>
    %get3A_25 = arith.constant 0 : index
    %get3A_26 = arith.constant 0 : index
    %get3A_27 = vector.load %arg7[%get3A_25, %get3A_26] : memref<1x128xf32, #tpu.memory_space<vmem>>, vector<1x128xf32>
    %add3A_28 = vector.broadcast %get3A_27 : vector<1x128xf32> to vector<1000x128xf32>
    %add3A_29 = arith.addf %dot_general3A_24, %add3A_28 : vector<1000x128xf32>
    %reduce_sum3A = arith.constant dense<0.000000e+00> : vector<1000xf32>
    %reduce_sum3A_30 = vector.multi_reduction <add>, %add3A_29, %reduce_sum3A [1] : vector<1000x128xf32> to vector<1000xf32>
    %broadcast_in_dim3A = vector.shape_cast %reduce_sum3A_30 : vector<1000xf32> to vector<1000x1xf32>
    %div3A = arith.constant 1.280000e+02 : f32
    %div3A_31 = vector.broadcast %div3A : f32 to vector<1000x1xf32>
    %div3A_32 = arith.divf %broadcast_in_dim3A, %div3A_31 : vector<1000x1xf32>
    %sub3A = vector.broadcast %div3A_32 : vector<1000x1xf32> to vector<1000x128xf32>
    %sub3A_33 = arith.subf %add3A_29, %sub3A : vector<1000x128xf32>
    %integer_pow3A = arith.mulf %sub3A_33, %sub3A_33 : vector<1000x128xf32>
    %reduce_sum3A_34 = arith.constant dense<0.000000e+00> : vector<1000xf32>
    %reduce_sum3A_35 = vector.multi_reduction <add>, %integer_pow3A, %reduce_sum3A_34 [1] : vector<1000x128xf32> to vector<1000xf32>
    %broadcast_in_dim3A_36 = vector.shape_cast %reduce_sum3A_35 : vector<1000xf32> to vector<1000x1xf32>
    %div3A_37 = arith.constant 1.280000e+02 : f32
    %div3A_38 = vector.broadcast %div3A_37 : f32 to vector<1000x1xf32>
    %div3A_39 = arith.divf %broadcast_in_dim3A_36, %div3A_38 : vector<1000x1xf32>
    %sub3A_40 = vector.broadcast %div3A_32 : vector<1000x1xf32> to vector<1000x128xf32>
    %sub3A_41 = arith.subf %add3A_29, %sub3A_40 : vector<1000x128xf32>
    %add3A_42 = arith.constant 9.99999974E-6 : f32
    %add3A_43 = vector.broadcast %add3A_42 : f32 to vector<1000x1xf32>
    %add3A_44 = arith.addf %div3A_39, %add3A_43 : vector<1000x1xf32>
    %rsqrt3A_45 = math.rsqrt %add3A_44 : vector<1000x1xf32>
    %mul3A_46 = vector.broadcast %rsqrt3A_45 : vector<1000x1xf32> to vector<1000x128xf32>
    %mul3A_47 = arith.mulf %sub3A_41, %mul3A_46 : vector<1000x128xf32>
    %get3A_48 = arith.constant 0 : index
    %get3A_49 = arith.constant 0 : index
    %get3A_50 = vector.load %arg8[%get3A_48, %get3A_49] : memref<1x128xf32, #tpu.memory_space<vmem>>, vector<1x128xf32>
    %mul3A_51 = vector.broadcast %get3A_50 : vector<1x128xf32> to vector<1000x128xf32>
    %mul3A_52 = arith.mulf %mul3A_47, %mul3A_51 : vector<1000x128xf32>
    %get3A_53 = arith.constant 0 : index
    %get3A_54 = arith.constant 0 : index
    %get3A_55 = vector.load %arg9[%get3A_53, %get3A_54] : memref<1x128xf32, #tpu.memory_space<vmem>>, vector<1x128xf32>
    %add3A_56 = vector.broadcast %get3A_55 : vector<1x128xf32> to vector<1000x128xf32>
    %add3A_57 = arith.addf %mul3A_52, %add3A_56 : vector<1000x128xf32>
    %get3A_58 = arith.constant 0 : index
    %get3A_59 = arith.constant 0 : index
    %get3A_60 = vector.load %arg10[%get3A_58, %get3A_59] : memref<1x128xf32, #tpu.memory_space<vmem>>, vector<1x128xf32>
    %max3A = arith.constant 0.000000e+00 : f32
    %max3A_61 = vector.broadcast %max3A : f32 to vector<1000x128xf32>
    %max3A_62 = arith.maximumf %add3A_57, %max3A_61 : vector<1000x128xf32>
    %get3A_63 = arith.constant 0 : index
    %get3A_64 = arith.constant 0 : index
    %get3A_65 = vector.load %arg4[%get3A_63, %get3A_64] : memref<1000x128xf32, #tpu.memory_space<vmem>>, vector<1000x128xf32>
    %add3A_66 = arith.addf %max3A_62, %get3A_65 : vector<1000x128xf32>
    %mul3A_67 = vector.broadcast %get3A_60 : vector<1x128xf32> to vector<1000x128xf32>
    %mul3A_68 = arith.mulf %mul3A_67, %add3A_66 : vector<1000x128xf32>
    %sub3A_69 = arith.constant 1.000000e+00 : f32
    %sub3A_70 = vector.broadcast %sub3A_69 : f32 to vector<1x128xf32>
    %sub3A_71 = arith.subf %sub3A_70, %get3A_60 : vector<1x128xf32>
    %mul3A_72 = vector.broadcast %sub3A_71 : vector<1x128xf32> to vector<1000x128xf32>
    %mul3A_73 = arith.mulf %mul3A_72, %add3A_57 : vector<1000x128xf32>
    %add3A_74 = arith.addf %mul3A_68, %mul3A_73 : vector<1000x128xf32>
    %get3A_75 = arith.constant 0 : index
    %get3A_76 = arith.constant 0 : index
    %get3A_77 = vector.load %arg11[%get3A_75, %get3A_76] : memref<1x128xf32, #tpu.memory_space<vmem>>, vector<1x128xf32>
    %get3A_78 = arith.constant 0 : index
    %get3A_79 = arith.constant 0 : index
    %get3A_80 = vector.load %arg5[%get3A_78, %get3A_79] : memref<1000x128xf32, #tpu.memory_space<vmem>>, vector<1000x128xf32>
    %mul3A_81 = vector.broadcast %get3A_77 : vector<1x128xf32> to vector<1000x128xf32>
    %mul3A_82 = arith.mulf %mul3A_81, %get3A_80 : vector<1000x128xf32>
    %sub3A_83 = arith.constant 1.000000e+00 : f32
    %sub3A_84 = vector.broadcast %sub3A_83 : f32 to vector<1x128xf32>
    %sub3A_85 = arith.subf %sub3A_84, %get3A_77 : vector<1x128xf32>
    %mul3A_86 = vector.broadcast %sub3A_85 : vector<1x128xf32> to vector<1000x128xf32>
    %mul3A_87 = arith.mulf %mul3A_86, %add3A_74 : vector<1000x128xf32>
    %add3A_88 = arith.addf %mul3A_82, %mul3A_87 : vector<1000x128xf32>
    %mul3A_89 = vector.broadcast %get3A_77 : vector<1x128xf32> to vector<1000x128xf32>
    %mul3A_90 = arith.mulf %mul3A_89, %rsqrt3A : vector<1000x128xf32>
    %sub3A_91 = arith.constant 1.000000e+00 : f32
    %sub3A_92 = vector.broadcast %sub3A_91 : f32 to vector<1x128xf32>
    %sub3A_93 = arith.subf %sub3A_92, %get3A_77 : vector<1x128xf32>
    %mul3A_94 = vector.broadcast %sub3A_93 : vector<1x128xf32> to vector<1000x128xf32>
    %mul3A_95 = arith.mulf %mul3A_94, %get3A_16 : vector<1000x128xf32>
    %add3A_96 = arith.addf %mul3A_90, %mul3A_95 : vector<1000x128xf32>
    %swap3A = arith.constant 0 : index
    %swap3A_97 = arith.constant 0 : index
    %swap3A_98 = vector.load %arg12[%swap3A, %swap3A_97] : memref<1000x128xf32, #tpu.memory_space<vmem>>, vector<1000x128xf32>
    tpu.vector_store %arg12[%swap3A, %swap3A_97], %add3A_88 {strides = array<i32>} : memref<1000x128xf32, #tpu.memory_space<vmem>>, vector<1000x128xf32>,
    %mul3A_99 = arith.mulf %add3A_88, %add3A_96 : vector<1000x128xf32>
    %swap3A_100 = arith.constant 0 : index
    %swap3A_101 = arith.constant 0 : index
    %swap3A_102 = vector.load %arg13[%swap3A_100, %swap3A_101] : memref<1000x128xf32, #tpu.memory_space<vmem>>, vector<1000x128xf32>
    tpu.vector_store %arg13[%swap3A_100, %swap3A_101], %mul3A_99 {strides = array<i32>} : memref<1000x128xf32, #tpu.memory_space<vmem>>, vector<1000x128xf32>,
    %swap3A_103 = arith.constant 0 : index
    %swap3A_104 = arith.constant 0 : index
    %swap3A_105 = vector.load %arg14[%swap3A_103, %swap3A_104] : memref<1000x128xf32, #tpu.memory_space<vmem>>, vector<1000x128xf32>
    tpu.vector_store %arg14[%swap3A_103, %swap3A_104], %add3A_96 {strides = array<i32>} : memref<1000x128xf32, #tpu.memory_space<vmem>>, vector<1000x128xf32>,
    return
  }
  func.func @transform_0(%arg0: i32) -> (i32, i32, i32, i32) {
    %jit3A = arith.constant 5 : i32
    %div3A = arith.divsi %arg0, %jit3A : i32
    %sign3A = arith.constant 0 : i32
    %sign3A_0 = arith.cmpi sgt, %arg0, %sign3A : i32
    %sign3A_1 = arith.extui %sign3A_0 : i1 to i32
    %sign3A_2 = arith.constant 0 : i32
    %sign3A_3 = arith.cmpi slt, %arg0, %sign3A_2 : i32
    %sign3A_4 = arith.extui %sign3A_3 : i1 to i32
    %sign3A_5 = arith.subi %sign3A_1, %sign3A_4 : i32
    %sign3A_6 = arith.constant 0 : i32
    %sign3A_7 = arith.cmpi sgt, %jit3A, %sign3A_6 : i32
    %sign3A_8 = arith.extui %sign3A_7 : i1 to i32
    %sign3A_9 = arith.constant 0 : i32
    %sign3A_10 = arith.cmpi slt, %jit3A, %sign3A_9 : i32
    %sign3A_11 = arith.extui %sign3A_10 : i1 to i32
    %sign3A_12 = arith.subi %sign3A_8, %sign3A_11 : i32
    %ne3A = arith.cmpi ne, %sign3A_5, %sign3A_12 : i32
    %rem3A = arith.remsi %arg0, %jit3A : i32
    %ne3A_13 = arith.constant 0 : i32
    %ne3A_14 = arith.cmpi ne, %rem3A, %ne3A_13 : i32
    %and3A = arith.andi %ne3A, %ne3A_14 : i1
    %sub3A = arith.constant 1 : i32
    %sub3A_15 = arith.subi %div3A, %sub3A : i32
    %select_n3A = arith.select %and3A, %sub3A_15, %div3A : i32
    %jit3A_16 = arith.constant 5 : i32
    %eq3A = arith.constant 0 : i32
    %eq3A_17 = arith.cmpi eq, %jit3A_16, %eq3A : i32
    %jit3A_18 = arith.constant 1 : i32
    %select_n3A_19 = arith.select %eq3A_17, %jit3A_18, %jit3A_16 : i32
    %rem3A_20 = arith.remsi %arg0, %select_n3A_19 : i32
    %ne3A_21 = arith.constant 0 : i32
    %ne3A_22 = arith.cmpi ne, %rem3A_20, %ne3A_21 : i32
    %lt3A = arith.constant 0 : i32
    %lt3A_23 = arith.cmpi slt, %rem3A_20, %lt3A : i32
    %lt3A_24 = arith.constant 0 : i32
    %lt3A_25 = arith.cmpi slt, %select_n3A_19, %lt3A_24 : i32
    %ne3A_26 = arith.xori %lt3A_23, %lt3A_25 : i1
    %and3A_27 = arith.andi %ne3A_26, %ne3A_22 : i1
    %add3A = arith.addi %rem3A_20, %select_n3A_19 : i32
    %select_n3A_28 = arith.select %and3A_27, %add3A, %rem3A_20 : i32
    %c0_i32 = arith.constant 0 : i32
    %c0_i32_29 = arith.constant 0 : i32
    %c0_i32_30 = arith.constant 0 : i32
    return %select_n3A, %c0_i32, %select_n3A_28, %c0_i32_29 : i32, i32, i32, i32
  }
  func.func @transform_1(%arg0: i32) -> (i32, i32) {
    %c0_i32 = arith.constant 0 : i32
    %c0_i32_0 = arith.constant 0 : i32
    return %arg0, %c0_i32 : i32, i32
  }
  func.func @transform_2(%arg0: i32) -> (i32, i32) {
    %c0_i32 = arith.constant 0 : i32
    %c0_i32_0 = arith.constant 0 : i32
    return %arg0, %c0_i32 : i32, i32
  }
  func.func @transform_3(%arg0: i32) -> (i32, i32) {
    %c0_i32 = arith.constant 0 : i32
    %c0_i32_0 = arith.constant 0 : i32
    return %arg0, %c0_i32 : i32, i32
  }
  func.func @transform_4(%arg0: i32) -> (i32, i32) {
    %c0_i32 = arith.constant 0 : i32
    %c0_i32_0 = arith.constant 0 : i32
    return %arg0, %c0_i32 : i32, i32
  }
  func.func @transform_5(%arg0: i32) -> (i32, i32) {
    %c0_i32 = arith.constant 0 : i32
    %c0_i32_0 = arith.constant 0 : i32
    %c0_i32_1 = arith.constant 0 : i32
    return %c0_i32, %c0_i32_0 : i32, i32
  }
  func.func @transform_6(%arg0: i32) -> (i32, i32) {
    %c0_i32 = arith.constant 0 : i32
    %c0_i32_0 = arith.constant 0 : i32
    %c0_i32_1 = arith.constant 0 : i32
    return %c0_i32, %c0_i32_0 : i32, i32
  }
  func.func @transform_7(%arg0: i32) -> (i32, i32) {
    %c0_i32 = arith.constant 0 : i32
    %c0_i32_0 = arith.constant 0 : i32
    %c0_i32_1 = arith.constant 0 : i32
    return %c0_i32, %c0_i32_0 : i32, i32
  }
  func.func @transform_8(%arg0: i32) -> (i32, i32) {
    %c0_i32 = arith.constant 0 : i32
    %c0_i32_0 = arith.constant 0 : i32
    %c0_i32_1 = arith.constant 0 : i32
    return %c0_i32, %c0_i32_0 : i32, i32
  }
  func.func @transform_9(%arg0: i32) -> (i32, i32) {
    %c0_i32 = arith.constant 0 : i32
    %c0_i32_0 = arith.constant 0 : i32
    %c0_i32_1 = arith.constant 0 : i32
    return %c0_i32, %c0_i32_0 : i32, i32
  }
  func.func @transform_10(%arg0: i32) -> (i32, i32) {
    %c0_i32 = arith.constant 0 : i32
    %c0_i32_0 = arith.constant 0 : i32
    %c0_i32_1 = arith.constant 0 : i32
    return %c0_i32, %c0_i32_0 : i32, i32
  }
  func.func @transform_11(%arg0: i32) -> (i32, i32) {
    %c0_i32 = arith.constant 0 : i32
    %c0_i32_0 = arith.constant 0 : i32
    return %arg0, %c0_i32 : i32, i32
  }
  func.func @transform_12(%arg0: i32) -> (i32, i32) {
    %c0_i32 = arith.constant 0 : i32
    %c0_i32_0 = arith.constant 0 : i32
    return %arg0, %c0_i32 : i32, i32
  }
  func.func @transform_13(%arg0: i32) -> (i32, i32) {
    %c0_i32 = arith.constant 0 : i32
    %c0_i32_0 = arith.constant 0 : i32
    return %arg0, %c0_i32 : i32, i32
  }
}

</mosaic_0001>

<sc_bundles>
// kernel: closed_call.25.cloned.1.call-start
scs
__scs_entry_jumppad:
0x0: {  	(pc) =	sbr.rel $0x88, $3  }
0x1: {  	(tag) =	ssettag $0x0;
	lr =	simm.s32 $0x1  }
0x2: {  	[smem:$0x3F93] =	sst lr;
	_ =	strace $0xD0000000  }
0x3: {  	_ = 	snop  }
0x4: {  	_ = 	snop  }
0x5: {  	_ = 	snop  }
0x6: {  	_ = 	snop  }
0x7: {  	_ = 	snop  }
__scs_overlays_trampoline_lowered:
0x8: {  	[smem:$0x3FA2] =	sst s0  }
0x9: {  	[smem:$0x3FA3] =	sst s1  }
0xa: {  	[smem:$0x3FA4] =	sst s2  }
0xb: {  	[smem:$0x3FA5] =	sst s3  }
0xc: {  	[smem:$0x3FA6] =	sst s4  }
0xd: {  	[smem:$0x3FA7] =	sst s5  }
0xe: {  	[smem:$0x3FA8] =	sst s6  }
0xf: {  	[smem:$0x3FA9] =	sst s7  }
0x10: {  	[smem:$0x3FAA] =	sst s8  }
0x11: {  	[smem:$0x3FAB] =	sst s9;
	s0 =	simm.s32 @!p0 $0x0  }
0x12: {  	s1 =	sld [smem:$0x3F91];
	s0 =	simm.s32 @p0 $0x1  }
0x13: {  	[smem:$0x3FAC] =	sst s0;
	s0 =	simm.s32 @!p1 $0x0  }
0x14: {  	s2 =	sld [smem:$0x3F90];
	s0 =	simm.s32 @p1 $0x1  }
0x15: {  	[smem:$0x3FAD] =	sst s0;
	s0 =	simm.s32 @!p2 $0x0  }
0x16: {  	s3 =	sld [smem:$0x3FDB];
	s0 =	simm.s32 @p2 $0x1  }
0x17: {  	s4 =	simm.s32 $0x1BF5;
	[smem:$0x3FAF] =	sst s0  }
0x18: {  	s0 =	sld [smem:$0x3F92];
	_ =	swait.ge [sflag:s4], $0x0  }
0x19: {  	s7 =	sld [smem:$0x3F93]  }
0x1a: {  	s8 =	sadd.s32 $0xFFFFE003, lr  }
0x1b: {  	s9 =	sadd.s32 $0xFFFFFEF7, lr;
	s5 =	simm.s32 $0xFFFFFFFF;
	p2 =	slt.u32 s8, $0xFFFFF086  }
0x1c: {  	p1 =	slt.u32 s9, $0xF7A;
	s5 =	simm.s32 @!p2 $0x0  }
0x1d: {  	s5 =	simm.s32 @p1 $0x1;
	p0 =	seq.s32 s7, s2  }
0x1e: {  	s7 =	smul.u32 @!p0 $0xF7A, s2;
	p2 =	seq.s32 @!p0 s5, $0x0  }
0x1f: {  	s9 =	smul.u32 $0xF7A, s1;
	s8 =	simm.s32 @!p0 $0x1BF5;
	p2 =	por !p2, p0  }
0x20: {  	[sflag:s8] =	ssyncset.s32 @!p0 $0xFFFFF086;
	s6 =	sadd.s32 @!p0 s3, s7;
	s7 =	simm.s32 @!p0 $0x108  }
0x21: {  	s3 =	sadd.s32 s3, s9;
	s6 =	sadd.s32 @!p0 $0x88, s6;
	s7 =	simm.s32 @p2 $0x1082  }
0x22: {  	[simem:s7], [sflag:s8] =	dma.local @!p0 [hbm:s6], $0xF7A  }
0x23: {  	s9 =	sor.u32 $0xD0000000, s2;
	s6 =	simm.s32 $0x108;
	_ =	swait.ge @!p0 [sflag:s8], $0x0  }
0x24: {  	s3 =	sadd.s32 $0x88, s3;
	s6 =	simm.s32 @!p1 $0x1082;
	[sflag:s4] =	ssyncset.s32 $0xFFFFF086  }
0x25: {  	[simem:s6], [sflag:s4] =	dma.local [hbm:s3], $0xF7A  }
0x26: {  	[smem:$0x3F93] =	sst s1;
	(tag) =	ssettag s2;
	_ =	strace s9  }
0x27: {  	s1 =	sld [smem:$0x3FA3]  }
0x28: {  	s2 =	sld [smem:$0x3FA4]  }
0x29: {  	s4 =	sld [smem:$0x3FA6]  }
0x2a: {  	p0 =	seq.s32 s5, $0x0;
	s5 =	sld [smem:$0x3FA7]  }
0x2b: {  	s6 =	sld [smem:$0x3FA8]  }
0x2c: {  	s7 =	sld [smem:$0x3FA9]  }
0x2d: {  	s3 =	simm.s32 $0x108;
	s8 =	sld [smem:$0x3FAA]  }
0x2e: {  	s3 =	simm.s32 @!p0 $0x1082;
	s9 =	sld [smem:$0x3FAB]  }
0x2f: {  	lr =	sadd.s32 s0, s3;
	s0 =	sld [smem:$0x3FA2]  }
0x30: {  	s3 =	sld [smem:$0x3FA5]  }
0x31: {  	[smem:$0x3FAE] =	sst s10  }
0x32: {  	s10 =	sld [smem:$0x3FAC];
	_ =	sdelay $0x3  }
0x33: {  	p0 =	seq.s32 s10, $0x1;
	s10 =	sld [smem:$0x3FAE];
	_ =	sdelay $0x3  }
0x34: {  	[smem:$0x3FAE] =	sst s10  }
0x35: {  	s10 =	sld [smem:$0x3FAD];
	_ =	sdelay $0x3  }
0x36: {  	p1 =	seq.s32 s10, $0x1;
	s10 =	sld [smem:$0x3FAE];
	_ =	sdelay $0x3  }
0x37: {  	[smem:$0x3FAE] =	sst s10  }
0x38: {  	s10 =	sld [smem:$0x3FAF]  }
0x39: {  	_ = 	snop;
	(pc) =	sbr.ind lr, $3  }
0x3a: {  	_ = 	snop  }
0x3b: {  	_ = 	snop  }
0x3c: {  	p2 =	seq.s32 s10, $0x1;
	s10 =	sld [smem:$0x3FAE]  }
0x3d: {  	_ =	shalt  }
0x3e: {  	_ =	shalt  }
0x3f: {  	_ =	shalt  }
0x40: {  	_ =	shalt  }
0x41: {  	_ =	shalt  }
0x42: {  	_ =	shalt  }
0x43: {  	_ =	shalt  }
0x44: {  	_ =	shalt  }
0x45: {  	_ =	shalt  }
0x46: {  	_ =	shalt  }
0x47: {  	_ =	shalt  }
0x48: {  	_ =	shalt  }
0x49: {  	_ =	shalt  }
0x4a: {  	_ =	shalt  }
0x4b: {  	_ =	shalt  }
0x4c: {  	_ =	shalt  }
0x4d: {  	_ =	shalt  }
0x4e: {  	_ =	shalt  }
0x4f: {  	_ =	shalt  }
0x50: {  	_ =	shalt  }
0x51: {  	_ =	shalt  }
0x52: {  	_ =	shalt  }
0x53: {  	_ =	shalt  }
0x54: {  	_ =	shalt  }
0x55: {  	_ =	shalt  }
0x56: {  	_ =	shalt  }
0x57: {  	_ =	shalt  }
0x58: {  	_ =	shalt  }
0x59: {  	_ =	shalt  }
0x5a: {  	_ =	shalt  }
0x5b: {  	_ =	shalt  }
0x5c: {  	_ =	shalt  }
0x5d: {  	_ =	shalt  }
0x5e: {  	_ =	shalt  }
0x5f: {  	_ =	shalt  }
0x60: {  	_ =	shalt  }
0x61: {  	_ =	shalt  }
0x62: {  	_ =	shalt  }
0x63: {  	_ =	shalt  }
0x64: {  	_ =	shalt  }
0x65: {  	_ =	shalt  }
0x66: {  	_ =	shalt  }
0x67: {  	_ =	shalt  }
0x68: {  	_ =	shalt  }
0x69: {  	_ =	shalt  }
0x6a: {  	_ =	shalt  }
0x6b: {  	_ =	shalt  }
0x6c: {  	_ =	shalt  }
0x6d: {  	_ =	shalt  }
0x6e: {  	_ =	shalt  }
0x6f: {  	_ =	shalt  }
0x70: {  	_ =	shalt  }
0x71: {  	_ =	shalt  }
0x72: {  	_ =	shalt  }
0x73: {  	_ =	shalt  }
0x74: {  	_ =	shalt  }
0x75: {  	_ =	shalt  }
0x76: {  	_ =	shalt  }
0x77: {  	_ =	shalt  }
0x78: {  	_ =	shalt  }
0x79: {  	_ =	shalt  }
0x7a: {  	_ =	shalt  }
0x7b: {  	_ =	shalt  }
0x7c: {  	_ =	shalt  }
0x7d: {  	_ =	shalt  }
0x7e: {  	_ =	shalt  }
0x7f: {  	_ =	shalt  }
0x80: {  	_ =	shalt  }
0x81: {  	_ =	shalt  }
0x82: {  	_ =	shalt  }
0x83: {  	_ =	shalt  }
0x84: {  	_ =	shalt  }
0x85: {  	_ =	shalt  }
0x86: {  	_ =	shalt  }
0x87: {  	_ =	shalt  }
.Lfunc_end0:
.L_simem_size_0:
called_computation_lowered:
.L_overlay_start_0:
0x88: {  	s2 =	sld [smem:$0x3FD9]  }
0x89: {  	s3 =	sld [smem:$0x3FFE];
	_ =	sdelay $0x1  }
0x8a: {  	s1 =	srdreg.scid  }
0x8b: {  	s0 =	sand.u32 $0x1, s1  }
0x8c: {  	s16 =	sshll.u32 s0, $0xA;
	s2 =	sadd.s32 s3, s2  }
0x8d: {  	s2 =	sadd.s32 s2, s16  }
0x8e: {  	[smem:$0x3FBA] =	sst s2  }
0x8f: {  	_ = 	snop  }
0x90: {  	(tm) =	ssettm $0x1  }
0x91: {  	s17 =	sld [smem:$0x3FFB];
	_ =	sdelay $0x3  }
0x92: {  	_ =	strace s17  }
0x93: {  	s2 =	sld [smem:$0x3FFC];
	_ =	sdelay $0x3  }
0x94: {  	_ =	strace s2  }
0x95: {  	s2 =	sld [smem:$0x3FFD];
	_ =	sdelay $0x3  }
0x96: {  	_ =	strace s2  }
0x97: {  	_ =	strace $0x8FFFFFFF  }
0x98: {  	s18 =	sld [smem:$0x3FDB];
	_ =	sdelay $0x1  }
0x99: {  	s19 =	simm.s32 $_scs_section_size  }
0x9a: {  	s4 =	simm.s32 $_size__tile_overlayer_lowered;
	s5 =	simm.s32 $_tile_overlayer_lowered  }
0x9b: {  	s22 =	simm.s32 $0x1BFF;
	s21 =	sshll.u32 s5, $0x1;
	s2 =	sadd.s32 s19, s18  }
0x9c: {  	s6 =	simm.s32 $0x0;
	s20 =	sshll.u32 s4, $0x1;
	s4 =	sadd.s32 s21, s2  }
0x9d: {  	[timem:s6], [sflag:s22] =	dma.local [hbm:s4], s20  }
0x9e: {  	_ =	swait.ge [sflag:s22], s20  }
0x9f: {  	s3 =	ssub.s32 $0x0, s20;
	[sflag:s22] =	ssyncset.done $0x0  }
0xa0: {  	[sflag:s22] =	ssyncadd.s32 s3;
	_ =	sdelay $0x1  }
0xa1: {  	s23 =	simm.s32 $0x1B8B  }
0xa2: {  	_ =	swait.ge [sflag:s23], $0x1  }
0xa3: {  	[sflag:s23] =	ssyncset.done $0x0  }
0xa4: {  	s25 =	simm.s32 $0x1B8E;
	s24 =	sld [smem:$0x3FFE];
	[sflag:s23] =	ssyncadd.s32 $0xFFFFFFFF  }
0xa5: {  	s26 =	simm.s32 $execute0_lowered;
	[smem:$0x3FD2] =	sst s25  }
0xa6: {  	s4 =	sshll.u32 s26, $0x1;
	_ =	strace $0x80000049;
	[dreg:$0x1] =	wrdreg $0xFFFFFFFF  }
0xa7: {  	s28 =	simm.s32 $_size_execute0_lowered;
	s2 =	sadd.s32 s2, s4;
	[dreg:$0x0] =	wrdreg $0x0  }
0xa8: {  	s4 =	sshll.u32 s28, $0x1;
	[dreg:$0x2] =	wrdreg s2  }
0xa9: {  	[dreg:$0x3] =	wrdreg s4  }
0xaa: {  	[dreg:$0x4] =	wrdreg $0xC0  }
0xab: {  	_ =	task [dreg:s6], $0x5FFFF  }
0xac: {  	[dreg:$0x1] =	wrdreg $0xFFFFFFFF  }
0xad: {  	[dreg:$0x0] =	wrdreg $0x60  }
0xae: {  	[dreg:$0x2] =	wrdreg s24  }
0xaf: {  	[dreg:$0x3] =	wrdreg $0xD0800  }
0xb0: {  	[dreg:$0x4] =	wrdreg $0x9  }
0xb1: {  	_ =	task.clear_ibuf [dreg:s6], $0x5FFFF;
	_ =	strace $0x90000049  }
0xb2: {  	s29 =	simm.s32 $0x9;
	_ =	strace $0x8000004B  }
0xb3: {  	_ =	swait.ge [sflag:s29], $0x1  }
0xb4: {  	[sflag:s29] =	ssyncadd.s32 $0xFFFFFFFF  }
0xb5: {  	_ =	strace $0x9000004B  }
0xb6: {  	_ =	sfence  }
0xb7: {  	s30 =	sld [smem:$0x0];
	_ =	sdelay $0x2  }
0xb8: {  	s31 =	sshll.u32 s1, $0xD;
	s1 =	sshrl.u32 s1, $0x2  }
0xb9: {  	s3 =	sand.u32 $0x4000, s31;
	s1 =	sadd.s32 s1, s30  }
0xba: {  	s0 =	sor.u32 s3, s0;
	s1 =	sshll.u32 s1, $0x11  }
0xbb: {  	s0 =	sor.u32 s1, s0  }
0xbc: {  	s0 =	sadd.s32 $0x8F2B, s0  }
0xbd: {  	[sflag:s0] =	ssyncadd.remote.s32 $0x1  }
0xbe: {  	_ =	sfence.sel $0xFFFF  }
0xbf: {  	[dreg:$0x0] =	wrdreg $0xFFFFFFFF;
	(pc) =	sbr.abs _section_cstart, $3  }
0xc0: {  	[dreg:$0x1] =	wrdreg $0xFFFFFFFF  }
0xc1: {  	_ =	task.clear_ibuf [dreg:s6], $0x2FFFF;
	_ =	strace $0x9FFFFFFF  }
0xc2: {  	(tm) =	ssettm $0x7FFFFFFF  }
0xc3: {  	_ =	shalt  }
tec
execute0_lowered:
.L_overlay_start_1:
0x0: {  	(tag) =	ssettag $0x1  }
0x1: {  	s5 =	rddreg [dreg:$0x0]  }
0x2: {  	s1 =	rddreg [dreg:$0x1]  }
0x3: {  	s0 =	rddreg [dreg:$0x2];
	s2 =	simm.s32 $0x0;
	s3 =	srdreg.scid  }
0x4: {  	s18 =	simm.s32 $0x3;
	s19 =	simm.s32 $0x5000;
	s20 =	simm.s32 $0x80  }
0x5: {  	s21 =	simm.s32 $0x5080;
	s22 =	simm.s32 $0x1;
	s23 =	simm.s32 $0x2  }
0x6: {  	s24 =	simm.s32 $0x0;
	[smem:$0x7FF] =	sst s2;
	s6 =	sand.u32 $0x1, s3  }
0x7: {  	s3 =	stileid.u32;
	s4 =	sadd.s32 $0x2C000, s5;
	s7 =	smul.u32 $0xA0000, s6  }
0x8: {  	s12 =	sadd.s32 $0x3C00, s5;
	s8 =	sshll.u32 s3, $0x1;
	s9 =	smul.u32 $0xA000, s3  }
0x9: {  	s13 =	sadd.s32 $0x17C00, s5;
	s29 =	smul.u32 $0x28000, s3;
	s8 =	sor.u32 s6, s8  }
0xa: {  	_ =	strace $0x8000004A;
	s6 =	ssub.s32 $0x2, s6;
	s10 =	sshll.u32 s8, $0x4  }
0xb: {  	s7 =	sadd.s32 s9, s7;
	s30 =	sshrl.u32 s6, $0x1;
	s9 =	sshrl.u32 s29, $0x2  }
0xc: {  	s8 =	smul.u32 $0x2800, s8;
	s14 =	sadd.s32 s10, s5;
	s7 =	sshrl.u32 s7, $0x3  }
0xd: {  	s16 =	ssub.s32 s6, s30;
	s15 =	sadd.s32 s7, s5;
	s5 =	sadd.s32 s9, s1  }
.Ltmp0:
0xe: {  	s31 =	sshrl.u32 s8, $0x3;
	s10 =	sadd.s32 $0x2BC00, s14;
	(pc) =	sbr.rel .LBB2_1-.Ltmp0, $4  }
0xf: {  	s14 =	sadd.s32 $0x2BE00, s14;
	s16 =	smax.u32 s16, $0x1;
	s6 =	sadd.s32 $0x4000, s5  }
0x10: {  	s7 =	sadd.s32 $0x8000, s5;
	s8 =	sadd.s32 s12, s31;
	s9 =	sadd.s32 s13, s31  }
0x11: {  	s17 =	sadd.s32 $0xA000, s31;
	s11 =	sadd.s32 $0x53200, s15;
	s15 =	sadd.s32 $0x7B200, s15  }
0x12: {  	v0 =	vimm.f32 $0.0e+00;
	s12 =	sadd.s32 s12, s17;
	s13 =	sadd.s32 s13, s17;
	s17 =	simm.s32 $0x9080  }
.LBB2_10:
0x13: {  	[sflag:s23] =	ssyncadd.s32 $0xFFFFC000  }
.LBB2_11:
0x14: {  	[bflag:$0x0] =	sbarrier.arrive $0xFFFF;
	s24 =	sadd.s32 $0x1, s24  }
0x15: {  	[hbm:s15], [sflag:s25] =	dma.local [spmem:s26], $0x1400  }
0x16: {  	p0 =	sne.s32 s24, s16  }
.Ltmp1:
0x17: {  	_ =	swait.ge [sflag:s18], $0x1400;
	(pc) =	sbr.rel @!p0 .LBB2_12-.Ltmp1, $3  }
0x18: {  	[sflag:s18] =	ssyncset.done $0x0  }
0x19: {  	[sflag:s18] =	ssyncadd.s32 $0xFFFFEC00  }
0x1a: {  	[bflag:$0x0] =	sbarrier.arrive $0xFFFF;
	_ =	sdelay $0x1  }
.LBB2_1:
0x1b: {  	s25 =	sand.u32 $0xFE00, s2  }
0x1c: {  	s26 =	sand.u32 $0x70, s2;
	s28 =	sshrl.u32 s25, $0x2  }
0x1d: {  	s25 =	simm.s32 $0x40;
	s28 =	sor.u32 s26, s28;
	s26 =	simm.s32 $0x0  }
.LBB2_2:
0x1e: {  	p0 =	sne.s32 s25, $0xFFC0  }
0x1f: {  	[tilespmem:s28+$0x9080] =	vst v0;
	s26 =	sadd.s32 $0x10, s26;
	s28 =	smov.u32 s25;
	s25 =	sadd.s32 $0x40, s25  }
.Ltmp2:
0x20: {  	(pc) =	sbr.rel @p0 .LBB2_2-.Ltmp2, $4  }
0x21: {  	_ = 	snop  }
0x22: {  	s28 =	sand.u32 $0xFE00, s28  }
0x23: {  	s29 =	sand.u32 $0x70, s26;
	s28 =	sshrl.u32 s28, $0x2  }
0x24: {  	s28 =	sor.u32 s29, s28  }
0x25: {  	[tilespmem:s28+$0x9080] =	vst v0  }
0x26: {  	[spmem:s5] =	stream.linear.scatter [tilespmem:s17], [sflag:$0x3], $0x4000, $0x38;
	[tilespmem:$0x17080] =	vst v63  }
0x27: {  	_ =	swait.ge [sflag:s18], $0x4000  }
0x28: {  	[sflag:s18] =	ssyncset.done $0x0  }
0x29: {  	[sflag:s18] =	ssyncadd.s32 $0xFFFFC000  }
0x2a: {  	[spmem:s6] =	stream.linear.scatter [tilespmem:s17], [sflag:$0x3], $0x4000, $0x38;
	[tilespmem:$0x17080] =	vst v63  }
0x2b: {  	_ =	swait.ge [sflag:s18], $0x4000  }
0x2c: {  	[sflag:s18] =	ssyncset.done $0x0  }
0x2d: {  	[sflag:s18] =	ssyncadd.s32 $0xFFFFC000  }
0x2e: {  	[spmem:s7] =	stream.linear.scatter [tilespmem:s17], [sflag:$0x3], $0x2000, $0x38;
	[tilespmem:$0x17080] =	vst v63  }
0x2f: {  	_ =	swait.ge [sflag:s18], $0x2000  }
0x30: {  	[sflag:s18] =	ssyncset.done $0x0  }
0x31: {  	s25 =	simm.s32 $0x0;
	[sflag:s18] =	ssyncadd.s32 $0xFFFFE000  }
0x32: {  	[tilespmem:s25], [sflag:$0x3] =	stream.linear.gather [hbm4b:s8+s25], $0x2800, $0x38;
	[tilespmem:$0x17080] =	vst v63  }
0x33: {  	_ =	swait.ge [sflag:s18], $0x2800  }
0x34: {  	[sflag:s18] =	ssyncset.done $0x0  }
0x35: {  	s26 =	simm.s32 $0x2800;
	[sflag:s18] =	ssyncadd.s32 $0xFFFFD800  }
0x36: {  	[tilespmem:s26], [sflag:$0x3] =	stream.linear.gather [hbm4b:s9+s25], $0x2800, $0x38;
	[tilespmem:$0x17080] =	vst v63  }
0x37: {  	_ =	swait.ge [sflag:s18], $0x2800  }
0x38: {  	[sflag:s18] =	ssyncset.done $0x0  }
0x39: {  	[sflag:s18] =	ssyncadd.s32 $0xFFFFD800  }
0x3a: {  	[tilespmem:s19], [sflag:$0x3] =	stream.linear.gather [hbm4b:s10+s25], $0x80, $0x38;
	[tilespmem:$0x17080] =	vst v63  }
0x3b: {  	_ =	swait.ge [sflag:s18], $0x80  }
0x3c: {  	[sflag:s18] =	ssyncset.done $0x0  }
0x3d: {  	[sflag:s18] =	ssyncadd.s32 $0xFFFFFF80  }
0x3e: {  	v1 =	vld [tilespmem:$0x5000];
	_ =	sdelay $0x4  }
0x3f: {  	(v2sf) =	vpush v1, $0x0;
	_ =	sdelay $0xe  }
0x40: {  	s28 =	spop (v2sf)  }
0x41: {  	p0 =	slt.s32 s28, $0x1  }
.Ltmp3:
0x42: {  	_ = 	snop;
	(pc) =	sbr.rel @p0 .LBB2_7-.Ltmp3, $2  }
0x43: {  	_ =	sdelay $0x1  }
0x44: {  	[bflag:$0x0] =	sbarrier.arrive $0xFFFF;
	_ =	sdelay $0x1  }
0x45: {  	[tilespmem:s21], [sflag:$0x1] =	stream.indirect.gather [hbm4b:s4+s20], $0x80, s25, s20, $0xb8;
	[tilespmem:$0x17080] =	vst v63  }
0x46: {  	p0 =	sne.s32 s28, $0x1;
	_ =	swait.ge [sflag:s22], $0x4000  }
.Ltmp4:
0x47: {  	[sflag:s22] =	ssyncset.done $0x0;
	(pc) =	sbr.rel @!p0 .LBB2_6-.Ltmp4, $4  }
0x48: {  	[sflag:s22] =	ssyncadd.s32 $0xFFFFC000  }
0x49: {  	[spmem:s1] =	stream.indirect.scatter.add.f32 [tilespmem:s21], [sflag:$0x2], $0x80, s26, s20, $0xb8;
	[tilespmem:$0x17080] =	vst v63  }
0x4a: {  	_ =	swait.ge [sflag:s23], $0x4000  }
0x4b: {  	s28 =	sadd.s32 $0xFFFFFFFF, s28;
	[sflag:s23] =	ssyncset.done $0x0  }
.LBB2_5:
0x4c: {  	[sflag:s23] =	ssyncadd.s32 $0xFFFFC000;
	s25 =	sadd.s32 $0x80, s25;
	s26 =	sadd.s32 $0x80, s26  }
0x4d: {  	[tilespmem:s21], [sflag:$0x1] =	stream.indirect.gather [hbm4b:s4+s20], $0x80, s25, s20, $0xb8;
	[tilespmem:$0x17080] =	vst v63  }
0x4e: {  	p0 =	sne.s32 s28, $0x1;
	s28 =	sadd.s32 $0xFFFFFFFF, s28;
	_ =	swait.ge [sflag:s22], $0x4000  }
.Ltmp5:
0x4f: {  	[sflag:s22] =	ssyncset.done $0x0;
	(pc) =	sbr.rel @p0 .LBB2_5-.Ltmp5, $4  }
0x50: {  	[sflag:s22] =	ssyncadd.s32 $0xFFFFC000  }
0x51: {  	[spmem:s1] =	stream.indirect.scatter.add.f32 [tilespmem:s21], [sflag:$0x2], $0x80, s26, s20, $0xb8;
	[tilespmem:$0x17080] =	vst v63  }
0x52: {  	_ =	swait.ge [sflag:s23], $0x4000  }
0x53: {  	[sflag:s23] =	ssyncset.done $0x0  }
.LBB2_6:
0x54: {  	[sflag:s23] =	ssyncadd.s32 $0xFFFFC000  }
.LBB2_7:
0x55: {  	s25 =	sshll.u32 s3, $0x6  }
0x56: {  	[bflag:$0x0] =	sbarrier.arrive $0xFFFF;
	s26 =	sshrl.u32 s5, $0x3;
	s25 =	sor.u32 $0x1C03, s25  }
0x57: {  	[hbm:s11], [sflag:s25] =	dma.local [spmem:s26], $0x1400  }
0x58: {  	_ =	swait.ge [sflag:s18], $0x1400  }
0x59: {  	[sflag:s18] =	ssyncset.done $0x0  }
0x5a: {  	[sflag:s18] =	ssyncadd.s32 $0xFFFFEC00  }
0x5b: {  	[bflag:$0x0] =	sbarrier.arrive $0xFFFF  }
0x5c: {  	[spmem:s5] =	stream.linear.scatter [tilespmem:s17], [sflag:$0x3], $0x4000, $0x38;
	[tilespmem:$0x17080] =	vst v63  }
0x5d: {  	_ =	swait.ge [sflag:s18], $0x4000  }
0x5e: {  	[sflag:s18] =	ssyncset.done $0x0  }
0x5f: {  	[sflag:s18] =	ssyncadd.s32 $0xFFFFC000  }
0x60: {  	[spmem:s6] =	stream.linear.scatter [tilespmem:s17], [sflag:$0x3], $0x4000, $0x38;
	[tilespmem:$0x17080] =	vst v63  }
0x61: {  	_ =	swait.ge [sflag:s18], $0x4000  }
0x62: {  	[sflag:s18] =	ssyncset.done $0x0  }
0x63: {  	[sflag:s18] =	ssyncadd.s32 $0xFFFFC000  }
0x64: {  	[spmem:s7] =	stream.linear.scatter [tilespmem:s17], [sflag:$0x3], $0x2000, $0x38;
	[tilespmem:$0x17080] =	vst v63  }
0x65: {  	_ =	swait.ge [sflag:s18], $0x2000  }
0x66: {  	[sflag:s18] =	ssyncset.done $0x0  }
0x67: {  	s28 =	simm.s32 $0x0;
	[sflag:s18] =	ssyncadd.s32 $0xFFFFE000  }
0x68: {  	[tilespmem:s28], [sflag:$0x3] =	stream.linear.gather [hbm4b:s12+s28], $0x2800, $0x38;
	[tilespmem:$0x17080] =	vst v63  }
0x69: {  	_ =	swait.ge [sflag:s18], $0x2800  }
0x6a: {  	[sflag:s18] =	ssyncset.done $0x0  }
0x6b: {  	s29 =	simm.s32 $0x2800;
	[sflag:s18] =	ssyncadd.s32 $0xFFFFD800  }
0x6c: {  	[tilespmem:s29], [sflag:$0x3] =	stream.linear.gather [hbm4b:s13+s28], $0x2800, $0x38;
	[tilespmem:$0x17080] =	vst v63  }
0x6d: {  	_ =	swait.ge [sflag:s18], $0x2800  }
0x6e: {  	[sflag:s18] =	ssyncset.done $0x0  }
0x6f: {  	[sflag:s18] =	ssyncadd.s32 $0xFFFFD800  }
0x70: {  	[tilespmem:s19], [sflag:$0x3] =	stream.linear.gather [hbm4b:s14+s28], $0x80, $0x38;
	[tilespmem:$0x17080] =	vst v63  }
0x71: {  	_ =	swait.ge [sflag:s18], $0x80  }
0x72: {  	[sflag:s18] =	ssyncset.done $0x0  }
0x73: {  	[sflag:s18] =	ssyncadd.s32 $0xFFFFFF80  }
0x74: {  	v1 =	vld [tilespmem:$0x5000];
	_ =	sdelay $0x4  }
0x75: {  	(v2sf) =	vpush v1, $0x0;
	_ =	sdelay $0xe  }
0x76: {  	s30 =	spop (v2sf)  }
0x77: {  	p0 =	slt.s32 s30, $0x1  }
.Ltmp6:
0x78: {  	_ = 	snop;
	(pc) =	sbr.rel @p0 .LBB2_11-.Ltmp6, $2  }
0x79: {  	_ =	sdelay $0x1  }
0x7a: {  	[bflag:$0x0] =	sbarrier.arrive $0xFFFF;
	_ =	sdelay $0x1  }
0x7b: {  	[tilespmem:s21], [sflag:$0x1] =	stream.indirect.gather [hbm4b:s4+s20], $0x80, s28, s20, $0xb8;
	[tilespmem:$0x17080] =	vst v63  }
0x7c: {  	p0 =	sne.s32 s30, $0x1;
	_ =	swait.ge [sflag:s22], $0x4000  }
.Ltmp7:
0x7d: {  	[sflag:s22] =	ssyncset.done $0x0;
	(pc) =	sbr.rel @!p0 .LBB2_10-.Ltmp7, $4  }
0x7e: {  	[sflag:s22] =	ssyncadd.s32 $0xFFFFC000  }
0x7f: {  	[spmem:s1] =	stream.indirect.scatter.add.f32 [tilespmem:s21], [sflag:$0x2], $0x80, s29, s20, $0xb8;
	[tilespmem:$0x17080] =	vst v63  }
0x80: {  	_ =	swait.ge [sflag:s23], $0x4000  }
0x81: {  	s30 =	sadd.s32 $0xFFFFFFFF, s30;
	[sflag:s23] =	ssyncset.done $0x0  }
.LBB2_9:
0x82: {  	[sflag:s23] =	ssyncadd.s32 $0xFFFFC000;
	s28 =	sadd.s32 $0x80, s28;
	s29 =	sadd.s32 $0x80, s29  }
0x83: {  	[tilespmem:s21], [sflag:$0x1] =	stream.indirect.gather [hbm4b:s4+s20], $0x80, s28, s20, $0xb8;
	[tilespmem:$0x17080] =	vst v63  }
0x84: {  	p0 =	sne.s32 s30, $0x1;
	s30 =	sadd.s32 $0xFFFFFFFF, s30;
	_ =	swait.ge [sflag:s22], $0x4000  }
.Ltmp8:
0x85: {  	[sflag:s22] =	ssyncset.done $0x0;
	(pc) =	sbr.rel @p0 .LBB2_9-.Ltmp8, $4  }
0x86: {  	[sflag:s22] =	ssyncadd.s32 $0xFFFFC000  }
0x87: {  	[spmem:s1] =	stream.indirect.scatter.add.f32 [tilespmem:s21], [sflag:$0x2], $0x80, s29, s20, $0xb8;
	[tilespmem:$0x17080] =	vst v63  }
0x88: {  	_ =	swait.ge [sflag:s23], $0x4000  }
0x89: {  	[sflag:s23] =	ssyncset.done $0x0  }
.Ltmp9:
0x8a: {  	_ = 	snop;
	(pc) =	sbr.rel .LBB2_10-.Ltmp9, $1  }
0x8b: {  	_ =	sdelay $0x3  }
.LBB2_12:
0x8c: {  	_ =	sfence.sel $0x180000  }
0x8d: {  	[bflag:$0x0] =	sbarrier.arrive $0xFFFF  }
0x8e: {  	p0 =	sne.s32 s3, $0x0;
	_ =	strace $0x9000004A  }
0x8f: {  	s0 =	sadd.s32 @!p0 $0x100000, s0;
	[bflag:$0x2] =	sbarrier.arrive $0xFFFF  }
0x90: {  	[sflag:s0] =	ssyncadd.tile.s32 @!p0 $0x1;
	_ =	shalt  }
.Lfunc_end2:
_tile_overlayer_lowered:
.L_overlay_start_2:
0x91: {  	(tag) =	ssettag $0x2  }
0x92: {  	s0 =	rddreg [dreg:$0x0];
	s2 =	stileid.u32  }
0x93: {  	s1 =	rddreg [dreg:$0x1];
	p0 =	sne.s32 s2, $0x0  }
0x94: {  	s3 =	rddreg [dreg:$0x2];
	[bflag:$0x3] =	sbarrier.arrive $0xFFFF;
	s2 =	simm.s32 @!p0 $0x1C03  }
0x95: {  	[timem:s3], [sflag:s2] =	dma.local @!p0 [hbm:s0], s1  }
0x96: {  	s0 =	simm.s32 @!p0 $0x3  }
0x97: {  	_ =	swait.ge @!p0 [sflag:s0], s1  }
0x98: {  	s1 =	ssub.s32 @!p0 $0x0, s1;
	[sflag:s0] =	ssyncset.done @!p0 $0x0  }
0x99: {  	[sflag:s0] =	ssyncadd.s32 @!p0 s1  }
0x9a: {  	[bflag:$0x3] =	sbarrier.arrive $0xFFFF  }
0x9b: {  	_ =	shalt  }

// kernel: kernel.3.cloned.1.call-start
scs
__scs_entry_jumppad:
0x0: {  	(pc) =	sbr.rel $0x88, $3  }
0x1: {  	(tag) =	ssettag $0x0;
	lr =	simm.s32 $0x1  }
0x2: {  	[smem:$0x3F93] =	sst lr;
	_ =	strace $0xD0000000  }
0x3: {  	_ = 	snop  }
0x4: {  	_ = 	snop  }
0x5: {  	_ = 	snop  }
0x6: {  	_ = 	snop  }
0x7: {  	_ = 	snop  }
__scs_overlays_trampoline_lowered:
0x8: {  	[smem:$0x3FA2] =	sst s0  }
0x9: {  	[smem:$0x3FA3] =	sst s1  }
0xa: {  	[smem:$0x3FA4] =	sst s2  }
0xb: {  	[smem:$0x3FA5] =	sst s3  }
0xc: {  	[smem:$0x3FA6] =	sst s4  }
0xd: {  	[smem:$0x3FA7] =	sst s5  }
0xe: {  	[smem:$0x3FA8] =	sst s6  }
0xf: {  	[smem:$0x3FA9] =	sst s7  }
0x10: {  	[smem:$0x3FAA] =	sst s8  }
0x11: {  	[smem:$0x3FAB] =	sst s9;
	s0 =	simm.s32 @!p0 $0x0  }
0x12: {  	s1 =	sld [smem:$0x3F91];
	s0 =	simm.s32 @p0 $0x1  }
0x13: {  	[smem:$0x3FAC] =	sst s0;
	s0 =	simm.s32 @!p1 $0x0  }
0x14: {  	s2 =	sld [smem:$0x3F90];
	s0 =	simm.s32 @p1 $0x1  }
0x15: {  	[smem:$0x3FAD] =	sst s0;
	s0 =	simm.s32 @!p2 $0x0  }
0x16: {  	s3 =	sld [smem:$0x3FDB];
	s0 =	simm.s32 @p2 $0x1  }
0x17: {  	s4 =	simm.s32 $0x1BF5;
	[smem:$0x3FAF] =	sst s0  }
0x18: {  	s0 =	sld [smem:$0x3F92];
	_ =	swait.ge [sflag:s4], $0x0  }
0x19: {  	s7 =	sld [smem:$0x3F93]  }
0x1a: {  	s8 =	sadd.s32 $0xFFFFE003, lr  }
0x1b: {  	s9 =	sadd.s32 $0xFFFFFEF7, lr;
	s5 =	simm.s32 $0xFFFFFFFF;
	p2 =	slt.u32 s8, $0xFFFFF086  }
0x1c: {  	p1 =	slt.u32 s9, $0xF7A;
	s5 =	simm.s32 @!p2 $0x0  }
0x1d: {  	s5 =	simm.s32 @p1 $0x1;
	p0 =	seq.s32 s7, s2  }
0x1e: {  	s7 =	smul.u32 @!p0 $0xF7A, s2;
	p2 =	seq.s32 @!p0 s5, $0x0  }
0x1f: {  	s9 =	smul.u32 $0xF7A, s1;
	s8 =	simm.s32 @!p0 $0x1BF5;
	p2 =	por !p2, p0  }
0x20: {  	[sflag:s8] =	ssyncset.s32 @!p0 $0xFFFFF086;
	s6 =	sadd.s32 @!p0 s3, s7;
	s7 =	simm.s32 @!p0 $0x108  }
0x21: {  	s3 =	sadd.s32 s3, s9;
	s6 =	sadd.s32 @!p0 $0x88, s6;
	s7 =	simm.s32 @p2 $0x1082  }
0x22: {  	[simem:s7], [sflag:s8] =	dma.local @!p0 [hbm:s6], $0xF7A  }
0x23: {  	s9 =	sor.u32 $0xD0000000, s2;
	s6 =	simm.s32 $0x108;
	_ =	swait.ge @!p0 [sflag:s8], $0x0  }
0x24: {  	s3 =	sadd.s32 $0x88, s3;
	s6 =	simm.s32 @!p1 $0x1082;
	[sflag:s4] =	ssyncset.s32 $0xFFFFF086  }
0x25: {  	[simem:s6], [sflag:s4] =	dma.local [hbm:s3], $0xF7A  }
0x26: {  	[smem:$0x3F93] =	sst s1;
	(tag) =	ssettag s2;
	_ =	strace s9  }
0x27: {  	s1 =	sld [smem:$0x3FA3]  }
0x28: {  	s2 =	sld [smem:$0x3FA4]  }
0x29: {  	s4 =	sld [smem:$0x3FA6]  }
0x2a: {  	p0 =	seq.s32 s5, $0x0;
	s5 =	sld [smem:$0x3FA7]  }
0x2b: {  	s6 =	sld [smem:$0x3FA8]  }
0x2c: {  	s7 =	sld [smem:$0x3FA9]  }
0x2d: {  	s3 =	simm.s32 $0x108;
	s8 =	sld [smem:$0x3FAA]  }
0x2e: {  	s3 =	simm.s32 @!p0 $0x1082;
	s9 =	sld [smem:$0x3FAB]  }
0x2f: {  	lr =	sadd.s32 s0, s3;
	s0 =	sld [smem:$0x3FA2]  }
0x30: {  	s3 =	sld [smem:$0x3FA5]  }
0x31: {  	[smem:$0x3FAE] =	sst s10  }
0x32: {  	s10 =	sld [smem:$0x3FAC];
	_ =	sdelay $0x3  }
0x33: {  	p0 =	seq.s32 s10, $0x1;
	s10 =	sld [smem:$0x3FAE];
	_ =	sdelay $0x3  }
0x34: {  	[smem:$0x3FAE] =	sst s10  }
0x35: {  	s10 =	sld [smem:$0x3FAD];
	_ =	sdelay $0x3  }
0x36: {  	p1 =	seq.s32 s10, $0x1;
	s10 =	sld [smem:$0x3FAE];
	_ =	sdelay $0x3  }
0x37: {  	[smem:$0x3FAE] =	sst s10  }
0x38: {  	s10 =	sld [smem:$0x3FAF]  }
0x39: {  	_ = 	snop;
	(pc) =	sbr.ind lr, $3  }
0x3a: {  	_ = 	snop  }
0x3b: {  	_ = 	snop  }
0x3c: {  	p2 =	seq.s32 s10, $0x1;
	s10 =	sld [smem:$0x3FAE]  }
0x3d: {  	_ =	shalt  }
0x3e: {  	_ =	shalt  }
0x3f: {  	_ =	shalt  }
0x40: {  	_ =	shalt  }
0x41: {  	_ =	shalt  }
0x42: {  	_ =	shalt  }
0x43: {  	_ =	shalt  }
0x44: {  	_ =	shalt  }
0x45: {  	_ =	shalt  }
0x46: {  	_ =	shalt  }
0x47: {  	_ =	shalt  }
0x48: {  	_ =	shalt  }
0x49: {  	_ =	shalt  }
0x4a: {  	_ =	shalt  }
0x4b: {  	_ =	shalt  }
0x4c: {  	_ =	shalt  }
0x4d: {  	_ =	shalt  }
0x4e: {  	_ =	shalt  }
0x4f: {  	_ =	shalt  }
0x50: {  	_ =	shalt  }
0x51: {  	_ =	shalt  }
0x52: {  	_ =	shalt  }
0x53: {  	_ =	shalt  }
0x54: {  	_ =	shalt  }
0x55: {  	_ =	shalt  }
0x56: {  	_ =	shalt  }
0x57: {  	_ =	shalt  }
0x58: {  	_ =	shalt  }
0x59: {  	_ =	shalt  }
0x5a: {  	_ =	shalt  }
0x5b: {  	_ =	shalt  }
0x5c: {  	_ =	shalt  }
0x5d: {  	_ =	shalt  }
0x5e: {  	_ =	shalt  }
0x5f: {  	_ =	shalt  }
0x60: {  	_ =	shalt  }
0x61: {  	_ =	shalt  }
0x62: {  	_ =	shalt  }
0x63: {  	_ =	shalt  }
0x64: {  	_ =	shalt  }
0x65: {  	_ =	shalt  }
0x66: {  	_ =	shalt  }
0x67: {  	_ =	shalt  }
0x68: {  	_ =	shalt  }
0x69: {  	_ =	shalt  }
0x6a: {  	_ =	shalt  }
0x6b: {  	_ =	shalt  }
0x6c: {  	_ =	shalt  }
0x6d: {  	_ =	shalt  }
0x6e: {  	_ =	shalt  }
0x6f: {  	_ =	shalt  }
0x70: {  	_ =	shalt  }
0x71: {  	_ =	shalt  }
0x72: {  	_ =	shalt  }
0x73: {  	_ =	shalt  }
0x74: {  	_ =	shalt  }
0x75: {  	_ =	shalt  }
0x76: {  	_ =	shalt  }
0x77: {  	_ =	shalt  }
0x78: {  	_ =	shalt  }
0x79: {  	_ =	shalt  }
0x7a: {  	_ =	shalt  }
0x7b: {  	_ =	shalt  }
0x7c: {  	_ =	shalt  }
0x7d: {  	_ =	shalt  }
0x7e: {  	_ =	shalt  }
0x7f: {  	_ =	shalt  }
0x80: {  	_ =	shalt  }
0x81: {  	_ =	shalt  }
0x82: {  	_ =	shalt  }
0x83: {  	_ =	shalt  }
0x84: {  	_ =	shalt  }
0x85: {  	_ =	shalt  }
0x86: {  	_ =	shalt  }
0x87: {  	_ =	shalt  }
.Lfunc_end0:
.L_simem_size_0:
called_computation.1_lowered:
.L_overlay_start_0:
0x88: {  	s2 =	sld [smem:$0x3FD9]  }
0x89: {  	s3 =	sld [smem:$0x3FFE];
	_ =	sdelay $0x1  }
0x8a: {  	s1 =	srdreg.scid  }
0x8b: {  	s0 =	sand.u32 $0x1, s1  }
0x8c: {  	s17 =	sshll.u32 s0, $0xA;
	s2 =	sadd.s32 s3, s2  }
0x8d: {  	s2 =	sadd.s32 s2, s17  }
0x8e: {  	[smem:$0x3FBA] =	sst s2  }
0x8f: {  	_ = 	snop  }
0x90: {  	s2 =	sld [smem:$0x3FD0];
	(tm) =	ssettm $0x1  }
0x91: {  	s18 =	sld [smem:$0x3FFB];
	_ =	sdelay $0x3  }
0x92: {  	_ =	strace s18  }
0x93: {  	s3 =	sld [smem:$0x3FFC];
	_ =	sdelay $0x3  }
0x94: {  	_ =	strace s3  }
0x95: {  	s3 =	sld [smem:$0x3FFD];
	_ =	sdelay $0x3  }
0x96: {  	_ =	strace s3  }
0x97: {  	_ =	strace $0x8FFFFFFF  }
0x98: {  	s19 =	sld [smem:$0x3FDB];
	_ =	sdelay $0x1  }
0x99: {  	s4 =	simm.s32 $_scs_section_size  }
0x9a: {  	s5 =	simm.s32 $_size__tile_overlayer_lowered;
	s6 =	simm.s32 $_tile_overlayer_lowered  }
0x9b: {  	s22 =	simm.s32 $0x1BFF;
	s21 =	sshll.u32 s6, $0x1;
	s3 =	sadd.s32 s4, s19  }
0x9c: {  	s7 =	simm.s32 $0x0;
	s20 =	sshll.u32 s5, $0x1;
	s5 =	sadd.s32 s21, s3  }
0x9d: {  	[timem:s7], [sflag:s22] =	dma.local [hbm:s5], s20  }
0x9e: {  	_ =	swait.ge [sflag:s22], s20  }
0x9f: {  	s4 =	ssub.s32 $0x0, s20;
	[sflag:s22] =	ssyncset.done $0x0  }
0xa0: {  	[sflag:s22] =	ssyncadd.s32 s4;
	_ =	sdelay $0x1  }
0xa1: {  	s23 =	simm.s32 $0x1B8B  }
0xa2: {  	_ =	swait.ge [sflag:s23], $0x1  }
0xa3: {  	[sflag:s23] =	ssyncset.done $0x0  }
0xa4: {  	s25 =	simm.s32 $0x1B8E;
	s24 =	sld [smem:$0x3FFE];
	[sflag:s23] =	ssyncadd.s32 $0xFFFFFFFF  }
0xa5: {  	s26 =	simm.s32 $execute0_lowered;
	[smem:$0x3FD2] =	sst s25  }
0xa6: {  	s5 =	sshll.u32 s26, $0x1;
	_ =	strace $0x80000046;
	[dreg:$0x1] =	wrdreg $0xFFFFFFFF  }
0xa7: {  	s28 =	simm.s32 $_size_execute0_lowered;
	s3 =	sadd.s32 s3, s5;
	[dreg:$0x0] =	wrdreg $0x0  }
0xa8: {  	s5 =	sshll.u32 s28, $0x1;
	[dreg:$0x2] =	wrdreg s3  }
0xa9: {  	[dreg:$0x3] =	wrdreg s5  }
0xaa: {  	[dreg:$0x4] =	wrdreg $0xC0  }
0xab: {  	_ =	task [dreg:s7], $0x5FFFF  }
0xac: {  	[dreg:$0x1] =	wrdreg $0xFFFFFFFF  }
0xad: {  	[dreg:$0x0] =	wrdreg $0x60  }
0xae: {  	[dreg:$0x2] =	wrdreg s24  }
0xaf: {  	[dreg:$0x3] =	wrdreg s2  }
0xb0: {  	[dreg:$0x4] =	wrdreg $0x9  }
0xb1: {  	_ =	task.clear_ibuf [dreg:s7], $0x5FFFF;
	_ =	strace $0x90000046  }
0xb2: {  	s29 =	simm.s32 $0x9;
	_ =	strace $0x80000048  }
0xb3: {  	_ =	swait.ge [sflag:s29], $0x1  }
0xb4: {  	[sflag:s29] =	ssyncadd.s32 $0xFFFFFFFF  }
0xb5: {  	_ =	strace $0x90000048  }
0xb6: {  	_ =	sfence  }
0xb7: {  	s30 =	sld [smem:$0x0];
	_ =	sdelay $0x2  }
0xb8: {  	s31 =	sshll.u32 s1, $0xD;
	s1 =	sshrl.u32 s1, $0x2  }
0xb9: {  	s3 =	sand.u32 $0x4000, s31;
	s1 =	sadd.s32 s1, s30  }
0xba: {  	s0 =	sor.u32 s3, s0;
	s1 =	sshll.u32 s1, $0x11  }
0xbb: {  	s0 =	sor.u32 s1, s0  }
0xbc: {  	s0 =	sadd.s32 $0x8F2B, s0  }
0xbd: {  	[sflag:s0] =	ssyncadd.remote.s32 $0x1  }
0xbe: {  	_ =	sfence.sel $0xFFFF  }
0xbf: {  	[dreg:$0x0] =	wrdreg $0xFFFFFFFF;
	(pc) =	sbr.abs _section_cstart, $3  }
0xc0: {  	[dreg:$0x1] =	wrdreg $0xFFFFFFFF  }
0xc1: {  	_ =	task.clear_ibuf [dreg:s7], $0x2FFFF;
	_ =	strace $0x9FFFFFFF  }
0xc2: {  	(tm) =	ssettm $0x7FFFFFFF  }
0xc3: {  	_ =	shalt  }
tec
execute0_lowered:
.L_overlay_start_1:
0x0: {  	(tag) =	ssettag $0x1  }
0x1: {  	s3 =	rddreg [dreg:$0x0]  }
0x2: {  	s1 =	srdreg.scid;
	s0 =	stileid.u32  }
0x3: {  	s9 =	rddreg [dreg:$0x1];
	s2 =	simm.s32 $0x0;
	s13 =	simm.s32 $0x2800  }
0x4: {  	s14 =	simm.s32 $0xF200;
	s15 =	simm.s32 $0x80;
	s16 =	simm.s32 $0x400  }
0x5: {  	s17 =	simm.s32 $0x5000;
	s18 =	simm.s32 $0x7880;
	s19 =	simm.s32 $0xA100  }
0x6: {  	s20 =	simm.s32 $0xC980;
	s21 =	simm.s32 $0x0;
	s4 =	sand.u32 $0x1, s1  }
0x7: {  	s5 =	sshll.u32 s0, $0x1;
	s1 =	rddreg [dreg:$0x2];
	s7 =	sshrl.u32 s0, $0x2  }
0x8: {  	[smem:$0x7FF] =	sst s2;
	s10 =	sadd.s32 $0x17C00, s3;
	s5 =	sor.u32 s4, s5  }
0x9: {  	s8 =	sshll.u32 s7, $0xA;
	s4 =	ssub.s32 $0x2, s4;
	s7 =	smul.u32 $0x14000, s7  }
0xa: {  	s6 =	smul.u32 $0x500, s5;
	s5 =	sshll.u32 s5, $0x7;
	s31 =	sshrl.u32 s4, $0x1  }
0xb: {  	_ =	strace $0x80000047;
	s5 =	sand.u32 $0x380, s5;
	s11 =	ssub.s32 s4, s31  }
0xc: {  	s6 =	sadd.s32 s6, s3;
	s8 =	sor.u32 s8, s5;
	s5 =	sor.u32 s7, s5  }
0xd: {  	s11 =	smax.u32 s11, $0x1;
	s8 =	sshrl.u32 s8, $0x3;
	s4 =	sadd.s32 $0x3C00, s6  }
0xe: {  	s7 =	sshrl.u32 s5, $0x3;
	s12 =	sadd.s32 $0x50000, s5;
	s8 =	sadd.s32 s8, s3  }
0xf: {  	s3 =	sadd.s32 $0xDC00, s6;
	s6 =	sadd.s32 s9, s7;
	s12 =	sshrl.u32 s12, $0x3  }
0x10: {  	s7 =	sadd.s32 s10, s7;
	s5 =	sadd.s32 $0x2BC00, s8;
	s8 =	sadd.s32 $0x2BE00, s8  }
0x11: {  	v0 =	vimm.s32 $0x0;
	v1 =	vimm.s32 $0x13FF;
	s9 =	sadd.s32 s9, s12;
	s10 =	sadd.s32 s10, s12;
	s12 =	simm.s32 $0x1  }
.LBB2_1:
0x12: {  	[tilespmem:s2], [sflag:$0x1] =	stream.linear.gather [hbm4b:s3+s2], $0x2800, $0x38;
	[tilespmem:$0xF280] =	vst v63  }
0x13: {  	_ =	swait.ge [sflag:s12], $0x2800  }
0x14: {  	[sflag:s12] =	ssyncset.done $0x0  }
0x15: {  	[sflag:s12] =	ssyncadd.s32 $0xFFFFD800  }
0x16: {  	[tilespmem:s13], [sflag:$0x1] =	stream.linear.gather [hbm4b:s4+s2], $0x2800, $0x38;
	[tilespmem:$0xF280] =	vst v63  }
0x17: {  	_ =	swait.ge [sflag:s12], $0x2800  }
0x18: {  	[sflag:s12] =	ssyncset.done $0x0  }
0x19: {  	s22 =	simm.s32 $0x0;
	[sflag:s12] =	ssyncadd.s32 $0xFFFFD800  }
.LBB2_2:
0x1a: {  	p0 =	sne.s32 s22, $0xA000  }
.Ltmp0:
0x1b: {  	s23 =	sshra.s32 s22, $0x2;
	(pc) =	sbr.rel @p0 .LBB2_2-.Ltmp0, $4  }
0x1c: {  	[tilespmem:s23+$0x5000] =	vst v0  }
0x1d: {  	[tilespmem:s23+$0x7880] =	vst v1  }
0x1e: {  	[tilespmem:s23+$0xA100] =	vst v0  }
0x1f: {  	s22 =	sadd.s32 $0x40, s22;
	[tilespmem:s23+$0xC980] =	vst v1  }
0x20: {  	s22 =	simm.s32 $0x0  }
0x21: {  	v2 =	vld [tilespmem:s22+$0x2800]  }
0x22: {  	v3 =	vld [tilespmem:s22+$0x0];
	_ =	sdelay $0x3  }
0x23: {  	s22 =	simm.s32 $0x0;
	vm0 =	vlt.s32 v2, $0x1388  }
0x24: {  	v4 =	vmpcnt.ones.xlane vm0;
	[tilespmem:s22+$0x5000] =	vst.msk vm0, v3  }
0x25: {  	vm1 =	vge.s32 v2, $0x1388;
	[tilespmem:s22+$0x7880] =	vst.msk vm0, v2  }
0x26: {  	(v2sf) =	vpush v4, $0x0;
	[tilespmem:s22+$0xA100] =	vst.msk vm1, v3;
	v3 =	vmpcnt.ones.xlane vm1;
	_ =	sdelay $0x1  }
0x27: {  	(v2sf) =	vpush v3, $0x0  }
0x28: {  	v4 =	vadd.s32 $0xFFFFEC78, v2  }
0x29: {  	vm2 =	vlt.s32 v4, $0x13FF  }
0x2a: {  	v2 =	vnsel vm2, $0x13FF, v4  }
0x2b: {  	s23 =	simm.s32 $0x10;
	[tilespmem:s22+$0xC980] =	vst.msk vm1, v2  }
0x2c: {  	v2 =	vld [tilespmem:s23+$0x2800];
	_ =	sdelay $0x4  }
0x2d: {  	vm1 =	vlt.s32 v2, $0x1388  }
0x2e: {  	v3 =	vld [tilespmem:s23+$0x0];
	v4 =	vadd.s32 $0xFFFFEC78, v2;
	v6 =	vmpcnt.ones.xlane vm1  }
0x2f: {  	vm0 =	vge.s32 v2, $0x1388;
	vm2 =	vlt.s32 v4, $0x13FF  }
0x30: {  	s24 =	simm.s32 $0x80;
	s23 =	simm.s32 $0x0;
	v5 =	vmpcnt.ones.xlane vm0;
	v4 =	vnsel vm2, $0x13FF, v4;
	(v2sf) =	vpush v6, $0x0;
	s25 =	spop (v2sf)  }
.LBB2_4:
0x31: {  	s22 =	sadd.s32 s22, s25  }
0x32: {  	(v2sf) =	vpush v5, $0x0;
	s25 =	spop (v2sf);
	s26 =	smov.u32 s24;
	s28 =	sadd.s32 $0x40, s24  }
0x33: {  	p0 =	sne.s32 s24, $0x9FC0;
	[tilespmem:s22+$0x5000] =	vst.msk vm1, v3;
	s23 =	sadd.s32 s23, s25  }
0x34: {  	[tilespmem:s22+$0x7880] =	vst.msk vm1, v2  }
0x35: {  	[tilespmem:s23+$0xA100] =	vst.msk vm0, v3  }
0x36: {  	[tilespmem:s23+$0xC980] =	vst.msk vm0, v4  }
0x37: {  	s24 =	sshra.s32 s26, $0x2  }
0x38: {  	v2 =	vld [tilespmem:s24+$0x2800];
	_ =	sdelay $0x3  }
.Ltmp1:
0x39: {  	(pc) =	sbr.rel @p0 .LBB2_4-.Ltmp1, $4  }
0x3a: {  	v3 =	vld [tilespmem:s24+$0x0];
	vm0 =	vge.s32 v2, $0x1388;
	vm1 =	vlt.s32 v2, $0x1388;
	v4 =	vadd.s32 $0xFFFFEC78, v2  }
0x3b: {  	vm2 =	vlt.s32 v4, $0x13FF;
	v6 =	vmpcnt.ones.xlane vm1;
	v5 =	vmpcnt.ones.xlane vm0  }
0x3c: {  	v4 =	vnsel vm2, $0x13FF, v4  }
0x3d: {  	s24 =	smov.u32 s28;
	(v2sf) =	vpush v6, $0x0;
	s25 =	spop (v2sf)  }
0x3e: {  	_ =	sdelay $0xc  }
0x3f: {  	s24 =	spop (v2sf)  }
0x40: {  	s22 =	sadd.s32 s22, s25;
	s30 =	spop (v2sf)  }
0x41: {  	s25 =	sadd.s32 s22, s30  }
0x42: {  	(v2sf) =	vpush v5, $0x0;
	s25 =	sadd.s32 $0x7F, s25  }
0x43: {  	s26 =	sand.u32 $0x7F, s25  }
0x44: {  	s31 =	sshra.s32 s25, $0x1F;
	p1 =	slt.s32 s25, $0x1;
	p0 =	sne.s32 s26, $0x0  }
0x45: {  	s26 =	sshrl.u32 s31, $0x19;
	p0 =	por !p1, !p0  }
0x46: {  	[tilespmem:s22+$0x5000] =	vst.msk vm1, v3;
	s25 =	sadd.s32 s26, s25;
	s26 =	simm.s32 $0x1;
	p0 =	por !p0, !p0  }
0x47: {  	s23 =	sadd.s32 s23, s24;
	[tilespmem:s22+$0x7880] =	vst.msk vm1, v2;
	s25 =	sshra.s32 s25, $0x7;
	s26 =	simm.s32 @!p0 $0x0  }
0x48: {  	[tilespmem:s23+$0xA100] =	vst.msk vm0, v3;
	s22 =	ssub.s32 s25, s26  }
0x49: {  	[tilespmem:s23+$0xC980] =	vst.msk vm0, v4;
	v2 =	vmov s22  }
0x4a: {  	[tilespmem:$0xF200] =	vst v2  }
0x4b: {  	[tilespmem:$0xF210] =	vst v2  }
0x4c: {  	[tilespmem:$0xF220] =	vst v2  }
0x4d: {  	[tilespmem:$0xF230] =	vst v2  }
0x4e: {  	[tilespmem:$0xF240] =	vst v2  }
0x4f: {  	[tilespmem:$0xF250] =	vst v2  }
0x50: {  	[tilespmem:$0xF260] =	vst v2  }
0x51: {  	s28 =	spop (v2sf);
	[tilespmem:$0xF270] =	vst v2  }
0x52: {  	[hbm4b:s5+s2] =	stream.linear.scatter [tilespmem:s14], [sflag:$0x1], $0x80, $0x38;
	[tilespmem:$0xF280] =	vst v63  }
0x53: {  	s22 =	sadd.s32 s23, s28;
	_ =	swait.ge [sflag:s12], $0x80  }
0x54: {  	s23 =	simm.s32 $0x1;
	s22 =	sadd.s32 $0x7F, s22;
	[sflag:s12] =	ssyncset.done $0x0  }
0x55: {  	s29 =	sand.u32 $0x7F, s22;
	s30 =	sshra.s32 s22, $0x1F;
	[sflag:s12] =	ssyncadd.s32 $0xFFFFFF80  }
0x56: {  	[hbm4b:s6+s15] =	stream.strided.scatter [tilespmem:s17], [sflag:$0x1], $0x2800, s16, s15, $0x38;
	[tilespmem:$0xF280] =	vst v63  }
0x57: {  	p5 =	slt.s32 s22, $0x1;
	p6 =	sne.s32 s29, $0x0;
	_ =	swait.ge [sflag:s12], $0x2800  }
0x58: {  	s31 =	sshrl.u32 s30, $0x19;
	p0 =	por !p5, !p6;
	[sflag:s12] =	ssyncset.done $0x0  }
0x59: {  	s22 =	sadd.s32 s31, s22;
	p0 =	por !p0, !p0;
	[sflag:s12] =	ssyncadd.s32 $0xFFFFD800  }
0x5a: {  	[hbm4b:s7+s15] =	stream.strided.scatter [tilespmem:s18], [sflag:$0x1], $0x2800, s16, s15, $0x38;
	[tilespmem:$0xF280] =	vst v63  }
0x5b: {  	s22 =	sshra.s32 s22, $0x7;
	s23 =	simm.s32 @!p0 $0x0;
	_ =	swait.ge [sflag:s12], $0x2800  }
0x5c: {  	s22 =	ssub.s32 s22, s23;
	[sflag:s12] =	ssyncset.done $0x0  }
0x5d: {  	v2 =	vmov s22;
	[sflag:s12] =	ssyncadd.s32 $0xFFFFD800  }
0x5e: {  	[tilespmem:$0xF200] =	vst v2  }
0x5f: {  	[tilespmem:$0xF210] =	vst v2  }
0x60: {  	[tilespmem:$0xF220] =	vst v2  }
0x61: {  	[tilespmem:$0xF230] =	vst v2  }
0x62: {  	[tilespmem:$0xF240] =	vst v2  }
0x63: {  	[tilespmem:$0xF250] =	vst v2  }
0x64: {  	[tilespmem:$0xF260] =	vst v2  }
0x65: {  	[tilespmem:$0xF270] =	vst v2  }
0x66: {  	[hbm4b:s8+s2] =	stream.linear.scatter [tilespmem:s14], [sflag:$0x1], $0x80, $0x38;
	[tilespmem:$0xF280] =	vst v63  }
0x67: {  	_ =	swait.ge [sflag:s12], $0x80  }
0x68: {  	[sflag:s12] =	ssyncset.done $0x0  }
0x69: {  	[sflag:s12] =	ssyncadd.s32 $0xFFFFFF80  }
0x6a: {  	[hbm4b:s9+s15] =	stream.strided.scatter [tilespmem:s19], [sflag:$0x1], $0x2800, s16, s15, $0x38;
	[tilespmem:$0xF280] =	vst v63  }
0x6b: {  	s21 =	sadd.s32 $0x1, s21;
	_ =	swait.ge [sflag:s12], $0x2800  }
0x6c: {  	p0 =	sne.s32 s21, s11;
	[sflag:s12] =	ssyncset.done $0x0  }
.Ltmp2:
0x6d: {  	[sflag:s12] =	ssyncadd.s32 $0xFFFFD800;
	(pc) =	sbr.rel @p0 .LBB2_1-.Ltmp2, $4  }
0x6e: {  	[hbm4b:s10+s15] =	stream.strided.scatter [tilespmem:s20], [sflag:$0x1], $0x2800, s16, s15, $0x38;
	[tilespmem:$0xF280] =	vst v63  }
0x6f: {  	_ =	swait.ge [sflag:s12], $0x2800  }
0x70: {  	[sflag:s12] =	ssyncset.done $0x0  }
0x71: {  	[sflag:s12] =	ssyncadd.s32 $0xFFFFD800  }
0x72: {  	_ =	sfence.sel $0x180000  }
0x73: {  	[bflag:$0x0] =	sbarrier.arrive $0xFFFF  }
0x74: {  	p0 =	sne.s32 s0, $0x0;
	_ =	strace $0x90000047  }
0x75: {  	s0 =	sadd.s32 @!p0 $0x100000, s1;
	[bflag:$0x2] =	sbarrier.arrive $0xFFFF  }
0x76: {  	[sflag:s0] =	ssyncadd.tile.s32 @!p0 $0x1;
	_ =	shalt  }
.Lfunc_end2:
_tile_overlayer_lowered:
.L_overlay_start_2:
0x77: {  	(tag) =	ssettag $0x2  }
0x78: {  	s0 =	rddreg [dreg:$0x0];
	s2 =	stileid.u32  }
0x79: {  	s1 =	rddreg [dreg:$0x1];
	p0 =	sne.s32 s2, $0x0  }
0x7a: {  	s3 =	rddreg [dreg:$0x2];
	[bflag:$0x3] =	sbarrier.arrive $0xFFFF;
	s2 =	simm.s32 @!p0 $0x1C01  }
0x7b: {  	[timem:s3], [sflag:s2] =	dma.local @!p0 [hbm:s0], s1  }
0x7c: {  	s0 =	simm.s32 @!p0 $0x1  }
0x7d: {  	_ =	swait.ge @!p0 [sflag:s0], s1  }
0x7e: {  	s1 =	ssub.s32 @!p0 $0x0, s1;
	[sflag:s0] =	ssyncset.done @!p0 $0x0  }
0x7f: {  	[sflag:s0] =	ssyncadd.s32 @!p0 s1  }
0x80: {  	[bflag:$0x3] =	sbarrier.arrive $0xFFFF  }
0x81: {  	_ =	shalt  }

</sc_bundles>
